<compile_context>
chip_gen: v7x
topology: tpu7x:2x2x1
jax: 0.10.2.dev20260603
libtpu: 0.0.44.dev20260713+nightly
codegen_flags: <defaults>
</compile_context>

<pallas_src>
import functools

import jax
import jax.numpy as jnp
from jax import lax
from jax.experimental import pallas as pl
from jax.experimental.pallas import tpu as pltpu
from jax.experimental.pallas import tpu_sc as plsc

VOCAB = 100000
HIDDEN = 128
B, S = 1024, 200
EPS = 1e-12

NC, NS = 2, 16
NW = NC * NS
TOK = B * S
PER_W = TOK // NW
CH = 128
ITERS = PER_W // CH
PAIRS = ITERS // 2
HS = HIDDEN // 16
NROW = TOK // CH


def _lane_sum(v, shuf):
    for p in shuf:
        v = v + jnp.take(v, p)
    return v


def _rsqrt_newton(v):
    m = v[0]
    bi = lax.bitcast_convert_type(m, jnp.int32)
    y = lax.bitcast_convert_type(jnp.int32(0x5F3759DF) - (bi >> 1), jnp.float32)
    for _ in range(3):
        y = y * (1.5 - 0.5 * m * y * y)
    return jnp.full((16,), y, jnp.float32)


def _fused_body(ids_hbm, cidx_hbm, word_hbm, ptbl_hbm, gam_hbm, bet_hbm, out_hbm,
                idxall_v, call_v, wrows_a, wrows_b, prows_a, prows_b,
                gam_v, bet_v, ptbl_sh,
                sem_wa, sem_pa, sem_wb, sem_pb, sem_sa, sem_sb):
    wid = lax.axis_index("s") * NC + lax.axis_index("c")
    base = wid * PER_W
    lane = jnp.arange(16, dtype=jnp.int32)
    shuf = [lax.rem(lane + k, 16) for k in (1, 2, 4, 8)]

    @pl.when(lax.axis_index("s") == 0)
    def _():
        pltpu.sync_copy(ptbl_hbm, ptbl_sh)

    plsc.subcore_barrier()

    pltpu.sync_copy(ids_hbm.at[pl.ds(base, PER_W)], idxall_v)
    pltpu.sync_copy(cidx_hbm.at[pl.ds(base, PER_W)], call_v)
    pltpu.sync_copy(gam_hbm, gam_v)
    pltpu.sync_copy(bet_hbm, bet_v)
    gam = [gam_v[pl.ds(s * 16, 16)] for s in range(HS)]
    bet = [bet_v[pl.ds(s * 16, 16)] for s in range(HS)]

    def issue(c, wrows_v, prows_v, sem_w, sem_p, sem_s=None):
        off = base + c * CH
        if sem_s is not None:
            pltpu.make_async_copy(
                wrows_v, out_hbm.at[pl.ds(off, CH)], sem_s).wait()
        loc = pl.multiple_of(c * CH, CH)
        pltpu.async_copy(word_hbm.at[idxall_v.at[pl.ds(loc, CH)]], wrows_v, sem_w)
        pltpu.async_copy(ptbl_sh.at[call_v.at[pl.ds(loc, CH)]], prows_v, sem_p)

    def compute(c, wrows_v, prows_v, sem_w, sem_p, sem_s):
        off = base + c * CH
        loc = pl.multiple_of(c * CH, CH)
        pltpu.make_async_copy(
            word_hbm.at[idxall_v.at[pl.ds(loc, CH)]], wrows_v, sem_w).wait()
        pltpu.make_async_copy(
            ptbl_sh.at[call_v.at[pl.ds(loc, CH)]], prows_v, sem_p).wait()

        @plsc.parallel_loop(0, CH, 1, unroll=2)
        def token(t):
            xs = []
            a1 = jnp.zeros((16,), jnp.float32)
            a2 = jnp.zeros((16,), jnp.float32)
            for s in range(HS):
                x = wrows_v[t, pl.ds(s * 16, 16)] + prows_v[t, pl.ds(s * 16, 16)]
                xs.append(x)
                a1 = a1 + x
                a2 = a2 + x * x
            mean = _lane_sum(a1, shuf) * (1.0 / HIDDEN)
            msq = _lane_sum(a2, shuf) * (1.0 / HIDDEN)
            rstd = _rsqrt_newton(msq - mean * mean + EPS)
            for s in range(HS):
                wrows_v[t, pl.ds(s * 16, 16)] = (xs[s] - mean) * rstd * gam[s] + bet[s]

        pltpu.async_copy(wrows_v, out_hbm.at[pl.ds(off, CH)], sem_s)

    issue(0, wrows_a, prows_a, sem_wa, sem_pa)

    def pair(i, carry):
        c0 = 2 * i

        @pl.when(i > 0)
        def _():
            issue(c0 + 1, wrows_b, prows_b, sem_wb, sem_pb, sem_sb)

        @pl.when(i == 0)
        def _():
            issue(c0 + 1, wrows_b, prows_b, sem_wb, sem_pb)

        compute(c0, wrows_a, prows_a, sem_wa, sem_pa, sem_sa)

        @pl.when(i < PAIRS - 1)
        def _():
            issue(c0 + 2, wrows_a, prows_a, sem_wa, sem_pa, sem_sa)

        compute(c0 + 1, wrows_b, prows_b, sem_wb, sem_pb, sem_sb)
        return carry

    lax.fori_loop(0, PAIRS, pair, 0)
    last = base + (ITERS - 2) * CH
    pltpu.make_async_copy(wrows_a, out_hbm.at[pl.ds(last, CH)], sem_sa).wait()
    pltpu.make_async_copy(wrows_b, out_hbm.at[pl.ds(last + CH, CH)], sem_sb).wait()


_fused_call = functools.partial(
    pl.kernel,
    mesh=plsc.VectorSubcoreMesh(core_axis_name="c", subcore_axis_name="s"),
    out_type=jax.ShapeDtypeStruct((TOK, HIDDEN), jnp.float32),
    scratch_types=[
        pltpu.VMEM((PER_W,), jnp.int32),
        pltpu.VMEM((PER_W,), jnp.int32),
        pltpu.VMEM((CH, HIDDEN), jnp.float32),
        pltpu.VMEM((CH, HIDDEN), jnp.float32),
        pltpu.VMEM((CH, HIDDEN), jnp.float32),
        pltpu.VMEM((CH, HIDDEN), jnp.float32),
        pltpu.VMEM((HIDDEN,), jnp.float32),
        pltpu.VMEM((HIDDEN,), jnp.float32),
        pltpu.VMEM_SHARED((2 * S, HIDDEN), jnp.float32),
        pltpu.SemaphoreType.DMA,
        pltpu.SemaphoreType.DMA,
        pltpu.SemaphoreType.DMA,
        pltpu.SemaphoreType.DMA,
        pltpu.SemaphoreType.DMA,
        pltpu.SemaphoreType.DMA,
    ],
)(_fused_body)


def _prep_body(pos_ref, type_ref, tt_ref, ptbl_ref, cidx_ref):
    ptbl_ref[...] = type_ref[...][:, None, :] + pos_ref[...][None, :, :]
    r = lax.broadcasted_iota(jnp.int32, (NROW, CH), 0)
    col = lax.broadcasted_iota(jnp.int32, (NROW, CH), 1)
    pos = lax.rem(r * CH + col, S)
    cidx_ref[...] = tt_ref[...] * S + pos


def kernel(input_ids, token_type_ids, word_emb, pos_emb, type_emb, ln_gamma, ln_beta):
    ids_flat = input_ids.reshape(TOK).astype(jnp.int32)
    tt2d = token_type_ids.reshape(NROW, CH).astype(jnp.int32)

    ptbl, cidx = pl.pallas_call(
        _prep_body,
        out_shape=[
            jax.ShapeDtypeStruct((2, S, HIDDEN), jnp.float32),
            jax.ShapeDtypeStruct((NROW, CH), jnp.int32),
        ],
    )(pos_emb[:S], type_emb, tt2d)

    out = _fused_call(ids_flat, cidx.reshape(TOK), word_emb,
                      ptbl.reshape(2 * S, HIDDEN), ln_gamma, ln_beta)
    return out.reshape(B, S, HIDDEN)

# --- scband reference (transcript-rebuilt; emitter-appended) ---
"""Pipeline reference for scband-bert-embeddings-17609365913814 (READ-ONLY COPY).

The authoritative reference and input builder live on the scoring server;
editing this copy changes nothing except your own understanding.
"""

import jax, jax.numpy as jnp
import numpy as np

VOCAB = 100000
HIDDEN = 128
MAX_POS = 512
TYPE_VOCAB = 2
B, S = 1024, 200
EPS = 1e-12


def setup_inputs(seed: int = 0) -> dict:
    key = jax.random.key(seed)
    k1, k2, k3, k4, k5, k6 = jax.random.split(key, 6)
    input_ids = jax.random.randint(k1, (B, S), 0, VOCAB, dtype=jnp.int64 if jax.config.read('jax_enable_x64') else jnp.int32)
    token_type_ids = jax.random.randint(k2, (B, S), 0, TYPE_VOCAB, dtype=input_ids.dtype)
    word_emb = jax.random.normal(k3, (VOCAB, HIDDEN), dtype=jnp.float32) * 0.02
    word_emb = word_emb.at[0].set(0.0)  # padding_idx=0 row initialized to zeros
    pos_emb = jax.random.normal(k4, (MAX_POS, HIDDEN), dtype=jnp.float32) * 0.02
    type_emb = jax.random.normal(k5, (TYPE_VOCAB, HIDDEN), dtype=jnp.float32) * 0.02
    ln_gamma = jnp.ones((HIDDEN,), dtype=jnp.float32)
    ln_beta = jnp.zeros((HIDDEN,), dtype=jnp.float32)
    return {
        'input_ids': input_ids,
        'token_type_ids': token_type_ids,
        'word_emb': word_emb,
        'pos_emb': pos_emb,
        'type_emb': type_emb,
        'ln_gamma': ln_gamma,
        'ln_beta': ln_beta,
    }


def _layer_norm(x, gamma, beta, eps):
    mean = jnp.mean(x, axis=-1, keepdims=True)
    var = jnp.mean(jnp.square(x - mean), axis=-1, keepdims=True)
    xhat = (x - mean) / jnp.sqrt(var + eps)
    return xhat * gamma + beta


def reference(input_ids, token_type_ids, word_emb, pos_emb, type_emb, ln_gamma, ln_beta):
    seq_length = input_ids.shape[1]
    position_ids = jnp.arange(seq_length)
    word_embedding = jnp.take(word_emb, input_ids, axis=0)          # [B, S, H] gather
    token_type_embedding = jnp.take(type_emb, token_type_ids, axis=0)  # [B, S, H] gather
    position_embedding = jnp.take(pos_emb, position_ids, axis=0)    # [S, H]
    embedding = word_embedding + position_embedding[None, :, :] + token_type_embedding
    embedding = _layer_norm(embedding, ln_gamma, ln_beta, EPS)
    # dropout is identity in eval mode
    return embedding

if __name__ == "__main__":
    import jax
    _d = setup_inputs()
    print(jax.jit(kernel)(*tuple(_d.values())))

</pallas_src>

<mosaic_0001>
#map = affine_map<(d0, d1) -> (0)>
#map1 = affine_map<(d0, d1) -> (0, 0)>
module attributes {stable_mosaic.version = 14 : i64} {
  func.func @_fused_body(%arg0: i32, %arg1: i32, %arg2: memref<204800xi32, #tpu.memory_space<hbm>>, %arg3: memref<204800xi32, #tpu.memory_space<hbm>>, %arg4: memref<100000x128xf32, #tpu.memory_space<hbm>>, %arg5: memref<400x128xf32, #tpu.memory_space<hbm>>, %arg6: memref<128xf32, #tpu.memory_space<hbm>>, %arg7: memref<128xf32, #tpu.memory_space<hbm>>, %arg8: memref<204800x128xf32, #tpu.memory_space<hbm>>, %arg9: memref<6400xi32, #tpu.memory_space<vmem>>, %arg10: memref<6400xi32, #tpu.memory_space<vmem>>, %arg11: memref<128x128xf32, #tpu.memory_space<vmem>>, %arg12: memref<128x128xf32, #tpu.memory_space<vmem>>, %arg13: memref<128x128xf32, #tpu.memory_space<vmem>>, %arg14: memref<128x128xf32, #tpu.memory_space<vmem>>, %arg15: memref<128xf32, #tpu.memory_space<vmem>>, %arg16: memref<128xf32, #tpu.memory_space<vmem>>, %arg17: memref<400x128xf32, #tpu.memory_space<vmem_shared>>, %arg18: memref<!tpu.dma_semaphore, #tpu.memory_space<semaphore_mem>>, %arg19: memref<!tpu.dma_semaphore, #tpu.memory_space<semaphore_mem>>, %arg20: memref<!tpu.dma_semaphore, #tpu.memory_space<semaphore_mem>>, %arg21: memref<!tpu.dma_semaphore, #tpu.memory_space<semaphore_mem>>, %arg22: memref<!tpu.dma_semaphore, #tpu.memory_space<semaphore_mem>>, %arg23: memref<!tpu.dma_semaphore, #tpu.memory_space<semaphore_mem>>) attributes {dimension_semantics = [#tpu.dimension_semantics<core_parallel>, #tpu.dimension_semantics<subcore_parallel>], iteration_bounds = array<i64: 2, 16>, scalar_prefetch = 0 : i64, scratch_operands = 15 : i64, tpu.core_type = #tpu.core_type<sc_vector_subcore>, window_params = [{transform_indices = #map}, {transform_indices = #map}, {transform_indices = #map1}, {transform_indices = #map1}, {transform_indices = #map}, {transform_indices = #map}, {transform_indices = #map1}]} {
    %mul3A = arith.constant 2 : i32
    %mul3A_0 = arith.muli %arg1, %mul3A : i32
    %add3A = arith.addi %mul3A_0, %arg0 : i32
    %mul3A_1 = arith.constant 6400 : i32
    %mul3A_2 = arith.muli %add3A, %mul3A_1 : i32
    %iota3A = tpu.iota {dimensions = array<i32: 0>} : vector<16xi32>
    %add3A_3 = arith.constant 1 : i32
    %add3A_4 = vector.broadcast %add3A_3 : i32 to vector<16xi32>
    %add3A_5 = arith.addi %iota3A, %add3A_4 : vector<16xi32>
    %rem3A = arith.constant 16 : i32
    %rem3A_6 = vector.broadcast %rem3A : i32 to vector<16xi32>
    %rem3A_7 = arith.remsi %add3A_5, %rem3A_6 : vector<16xi32>
    %add3A_8 = arith.constant 2 : i32
    %add3A_9 = vector.broadcast %add3A_8 : i32 to vector<16xi32>
    %add3A_10 = arith.addi %iota3A, %add3A_9 : vector<16xi32>
    %rem3A_11 = arith.constant 16 : i32
    %rem3A_12 = vector.broadcast %rem3A_11 : i32 to vector<16xi32>
    %rem3A_13 = arith.remsi %add3A_10, %rem3A_12 : vector<16xi32>
    %add3A_14 = arith.constant 4 : i32
    %add3A_15 = vector.broadcast %add3A_14 : i32 to vector<16xi32>
    %add3A_16 = arith.addi %iota3A, %add3A_15 : vector<16xi32>
    %rem3A_17 = arith.constant 16 : i32
    %rem3A_18 = vector.broadcast %rem3A_17 : i32 to vector<16xi32>
    %rem3A_19 = arith.remsi %add3A_16, %rem3A_18 : vector<16xi32>
    %add3A_20 = arith.constant 8 : i32
    %add3A_21 = vector.broadcast %add3A_20 : i32 to vector<16xi32>
    %add3A_22 = arith.addi %iota3A, %add3A_21 : vector<16xi32>
    %rem3A_23 = arith.constant 16 : i32
    %rem3A_24 = vector.broadcast %rem3A_23 : i32 to vector<16xi32>
    %rem3A_25 = arith.remsi %add3A_22, %rem3A_24 : vector<16xi32>
    %eq3A = arith.constant 0 : i32
    %eq3A_26 = arith.cmpi eq, %arg1, %eq3A : i32
    %convert_element_type3A = arith.extui %eq3A_26 : i1 to i32
    %cond3A = arith.constant 0 : i32
    %cond3A_27 = arith.cmpi ne, %convert_element_type3A, %cond3A : i32
    scf.if %cond3A_27 {
      "tpu.region"() ({
        %run_scoped3A = tpu.sem_alloc : memref<!tpu.dma_semaphore, #tpu.memory_space<semaphore_mem>>
        tpu.enqueue_dma source(%arg5 : memref<400x128xf32, #tpu.memory_space<hbm>>) target(%arg17 : memref<400x128xf32, #tpu.memory_space<vmem_shared>>) target_semaphore(%run_scoped3A : memref<!tpu.dma_semaphore, #tpu.memory_space<semaphore_mem>>)
        tpu.wait_dma2 semaphore(%run_scoped3A : memref<!tpu.dma_semaphore, #tpu.memory_space<semaphore_mem>>) src(%arg5 : memref<400x128xf32, #tpu.memory_space<hbm>>) dst(%arg17 : memref<400x128xf32, #tpu.memory_space<vmem_shared>>)
        tpu.yield
      }) : () -> ()
    } else {
    }
    %barrier3A = arith.constant 0 : index
    tpu.barrier barrier_id(%barrier3A)
    "tpu.region"() ({
      %run_scoped3A = tpu.sem_alloc : memref<!tpu.dma_semaphore, #tpu.memory_space<semaphore_mem>>
      %dma_start3A_101 = tpu.memref_slice %arg2[%mul3A_2] : memref<204800xi32, #tpu.memory_space<hbm>> -> memref<6400xi32, #tpu.memory_space<hbm>>
      %dma_start3A_102 = tpu.memref_slice %arg2[%mul3A_2] : memref<204800xi32, #tpu.memory_space<hbm>> -> memref<6400xi32, #tpu.memory_space<hbm>>
      tpu.enqueue_dma source(%dma_start3A_102 : memref<6400xi32, #tpu.memory_space<hbm>>) target(%arg9 : memref<6400xi32, #tpu.memory_space<vmem>>) target_semaphore(%run_scoped3A : memref<!tpu.dma_semaphore, #tpu.memory_space<semaphore_mem>>)
      %dma_wait3A_103 = tpu.memref_slice %arg2[%mul3A_2] : memref<204800xi32, #tpu.memory_space<hbm>> -> memref<6400xi32, #tpu.memory_space<hbm>>
      %dma_wait3A_104 = tpu.memref_slice %arg2[%mul3A_2] : memref<204800xi32, #tpu.memory_space<hbm>> -> memref<6400xi32, #tpu.memory_space<hbm>>
      tpu.wait_dma2 semaphore(%run_scoped3A : memref<!tpu.dma_semaphore, #tpu.memory_space<semaphore_mem>>) src(%dma_wait3A_104 : memref<6400xi32, #tpu.memory_space<hbm>>) dst(%arg9 : memref<6400xi32, #tpu.memory_space<vmem>>)
      tpu.yield
    }) : () -> ()
    "tpu.region"() ({
      %run_scoped3A = tpu.sem_alloc : memref<!tpu.dma_semaphore, #tpu.memory_space<semaphore_mem>>
      %dma_start3A_101 = tpu.memref_slice %arg3[%mul3A_2] : memref<204800xi32, #tpu.memory_space<hbm>> -> memref<6400xi32, #tpu.memory_space<hbm>>
      %dma_start3A_102 = tpu.memref_slice %arg3[%mul3A_2] : memref<204800xi32, #tpu.memory_space<hbm>> -> memref<6400xi32, #tpu.memory_space<hbm>>
      tpu.enqueue_dma source(%dma_start3A_102 : memref<6400xi32, #tpu.memory_space<hbm>>) target(%arg10 : memref<6400xi32, #tpu.memory_space<vmem>>) target_semaphore(%run_scoped3A : memref<!tpu.dma_semaphore, #tpu.memory_space<semaphore_mem>>)
      %dma_wait3A_103 = tpu.memref_slice %arg3[%mul3A_2] : memref<204800xi32, #tpu.memory_space<hbm>> -> memref<6400xi32, #tpu.memory_space<hbm>>
      %dma_wait3A_104 = tpu.memref_slice %arg3[%mul3A_2] : memref<204800xi32, #tpu.memory_space<hbm>> -> memref<6400xi32, #tpu.memory_space<hbm>>
      tpu.wait_dma2 semaphore(%run_scoped3A : memref<!tpu.dma_semaphore, #tpu.memory_space<semaphore_mem>>) src(%dma_wait3A_104 : memref<6400xi32, #tpu.memory_space<hbm>>) dst(%arg10 : memref<6400xi32, #tpu.memory_space<vmem>>)
      tpu.yield
    }) : () -> ()
    "tpu.region"() ({
      %run_scoped3A = tpu.sem_alloc : memref<!tpu.dma_semaphore, #tpu.memory_space<semaphore_mem>>
      tpu.enqueue_dma source(%arg6 : memref<128xf32, #tpu.memory_space<hbm>>) target(%arg15 : memref<128xf32, #tpu.memory_space<vmem>>) target_semaphore(%run_scoped3A : memref<!tpu.dma_semaphore, #tpu.memory_space<semaphore_mem>>)
      tpu.wait_dma2 semaphore(%run_scoped3A : memref<!tpu.dma_semaphore, #tpu.memory_space<semaphore_mem>>) src(%arg6 : memref<128xf32, #tpu.memory_space<hbm>>) dst(%arg15 : memref<128xf32, #tpu.memory_space<vmem>>)
      tpu.yield
    }) : () -> ()
    "tpu.region"() ({
      %run_scoped3A = tpu.sem_alloc : memref<!tpu.dma_semaphore, #tpu.memory_space<semaphore_mem>>
      tpu.enqueue_dma source(%arg7 : memref<128xf32, #tpu.memory_space<hbm>>) target(%arg16 : memref<128xf32, #tpu.memory_space<vmem>>) target_semaphore(%run_scoped3A : memref<!tpu.dma_semaphore, #tpu.memory_space<semaphore_mem>>)
      tpu.wait_dma2 semaphore(%run_scoped3A : memref<!tpu.dma_semaphore, #tpu.memory_space<semaphore_mem>>) src(%arg7 : memref<128xf32, #tpu.memory_space<hbm>>) dst(%arg16 : memref<128xf32, #tpu.memory_space<vmem>>)
      tpu.yield
    }) : () -> ()
    %get3A = arith.constant 0 : index
    %get3A_28 = tpu.vector_load %arg15[%get3A] {strides = array<i32>} : memref<128xf32, #tpu.memory_space<vmem>>, vector<16xf32>,
    %get3A_29 = vector.shape_cast %get3A_28 : vector<16xf32> to vector<16xf32>
    %get3A_30 = arith.constant 16 : index
    %get3A_31 = tpu.vector_load %arg15[%get3A_30] {strides = array<i32>} : memref<128xf32, #tpu.memory_space<vmem>>, vector<16xf32>,
    %get3A_32 = vector.shape_cast %get3A_31 : vector<16xf32> to vector<16xf32>
    %get3A_33 = arith.constant 32 : index
    %get3A_34 = tpu.vector_load %arg15[%get3A_33] {strides = array<i32>} : memref<128xf32, #tpu.memory_space<vmem>>, vector<16xf32>,
    %get3A_35 = vector.shape_cast %get3A_34 : vector<16xf32> to vector<16xf32>
    %get3A_36 = arith.constant 48 : index
    %get3A_37 = tpu.vector_load %arg15[%get3A_36] {strides = array<i32>} : memref<128xf32, #tpu.memory_space<vmem>>, vector<16xf32>,
    %get3A_38 = vector.shape_cast %get3A_37 : vector<16xf32> to vector<16xf32>
    %get3A_39 = arith.constant 64 : index
    %get3A_40 = tpu.vector_load %arg15[%get3A_39] {strides = array<i32>} : memref<128xf32, #tpu.memory_space<vmem>>, vector<16xf32>,
    %get3A_41 = vector.shape_cast %get3A_40 : vector<16xf32> to vector<16xf32>
    %get3A_42 = arith.constant 80 : index
    %get3A_43 = tpu.vector_load %arg15[%get3A_42] {strides = array<i32>} : memref<128xf32, #tpu.memory_space<vmem>>, vector<16xf32>,
    %get3A_44 = vector.shape_cast %get3A_43 : vector<16xf32> to vector<16xf32>
    %get3A_45 = arith.constant 96 : index
    %get3A_46 = tpu.vector_load %arg15[%get3A_45] {strides = array<i32>} : memref<128xf32, #tpu.memory_space<vmem>>, vector<16xf32>,
    %get3A_47 = vector.shape_cast %get3A_46 : vector<16xf32> to vector<16xf32>
    %get3A_48 = arith.constant 112 : index
    %get3A_49 = tpu.vector_load %arg15[%get3A_48] {strides = array<i32>} : memref<128xf32, #tpu.memory_space<vmem>>, vector<16xf32>,
    %get3A_50 = vector.shape_cast %get3A_49 : vector<16xf32> to vector<16xf32>
    %get3A_51 = arith.constant 0 : index
    %get3A_52 = tpu.vector_load %arg16[%get3A_51] {strides = array<i32>} : memref<128xf32, #tpu.memory_space<vmem>>, vector<16xf32>,
    %get3A_53 = vector.shape_cast %get3A_52 : vector<16xf32> to vector<16xf32>
    %get3A_54 = arith.constant 16 : index
    %get3A_55 = tpu.vector_load %arg16[%get3A_54] {strides = array<i32>} : memref<128xf32, #tpu.memory_space<vmem>>, vector<16xf32>,
    %get3A_56 = vector.shape_cast %get3A_55 : vector<16xf32> to vector<16xf32>
    %get3A_57 = arith.constant 32 : index
    %get3A_58 = tpu.vector_load %arg16[%get3A_57] {strides = array<i32>} : memref<128xf32, #tpu.memory_space<vmem>>, vector<16xf32>,
    %get3A_59 = vector.shape_cast %get3A_58 : vector<16xf32> to vector<16xf32>
    %get3A_60 = arith.constant 48 : index
    %get3A_61 = tpu.vector_load %arg16[%get3A_60] {strides = array<i32>} : memref<128xf32, #tpu.memory_space<vmem>>, vector<16xf32>,
    %get3A_62 = vector.shape_cast %get3A_61 : vector<16xf32> to vector<16xf32>
    %get3A_63 = arith.constant 64 : index
    %get3A_64 = tpu.vector_load %arg16[%get3A_63] {strides = array<i32>} : memref<128xf32, #tpu.memory_space<vmem>>, vector<16xf32>,
    %get3A_65 = vector.shape_cast %get3A_64 : vector<16xf32> to vector<16xf32>
    %get3A_66 = arith.constant 80 : index
    %get3A_67 = tpu.vector_load %arg16[%get3A_66] {strides = array<i32>} : memref<128xf32, #tpu.memory_space<vmem>>, vector<16xf32>,
    %get3A_68 = vector.shape_cast %get3A_67 : vector<16xf32> to vector<16xf32>
    %get3A_69 = arith.constant 96 : index
    %get3A_70 = tpu.vector_load %arg16[%get3A_69] {strides = array<i32>} : memref<128xf32, #tpu.memory_space<vmem>>, vector<16xf32>,
    %get3A_71 = vector.shape_cast %get3A_70 : vector<16xf32> to vector<16xf32>
    %get3A_72 = arith.constant 112 : index
    %get3A_73 = tpu.vector_load %arg16[%get3A_72] {strides = array<i32>} : memref<128xf32, #tpu.memory_space<vmem>>, vector<16xf32>,
    %get3A_74 = vector.shape_cast %get3A_73 : vector<16xf32> to vector<16xf32>
    %add3A_75 = arith.constant 0 : i32
    %add3A_76 = arith.addi %mul3A_2, %add3A_75 : i32
    %multiple_of3A = arith.constant 0 : i32
    %multiple_of3A_77 = tpu.assume_multiple %multiple_of3A, 128 : i32
    %dma_start3A = tpu.memref_slice %arg9[%multiple_of3A_77] : memref<6400xi32, #tpu.memory_space<vmem>> -> memref<128xi32, #tpu.memory_space<vmem>>
    %dma_start3A_78 = arith.constant 0 : i32
    %dma_start3A_79 = arith.constant 0 : i32
    %dma_start3A_80 = tpu.memref_slice %arg4[%dma_start3A_78, %dma_start3A_79] : memref<100000x128xf32, #tpu.memory_space<hbm>> -> memref<100000x128xf32, #tpu.memory_space<hbm>>
    tpu.enqueue_indirect_dma source(%dma_start3A_80 : memref<100000x128xf32, #tpu.memory_space<hbm>>) target(%arg11 : memref<128x128xf32, #tpu.memory_space<vmem>>) offsets(%dma_start3A : memref<128xi32, #tpu.memory_space<vmem>>) semaphore(%arg18 : memref<!tpu.dma_semaphore, #tpu.memory_space<semaphore_mem>>)
    %dma_start3A_81 = tpu.memref_slice %arg10[%multiple_of3A_77] : memref<6400xi32, #tpu.memory_space<vmem>> -> memref<128xi32, #tpu.memory_space<vmem>>
    %dma_start3A_82 = arith.constant 0 : i32
    %dma_start3A_83 = arith.constant 0 : i32
    %dma_start3A_84 = tpu.memref_slice %arg17[%dma_start3A_82, %dma_start3A_83] : memref<400x128xf32, #tpu.memory_space<vmem_shared>> -> memref<400x128xf32, #tpu.memory_space<vmem_shared>>
    tpu.enqueue_indirect_dma source(%dma_start3A_84 : memref<400x128xf32, #tpu.memory_space<vmem_shared>>) target(%arg13 : memref<128x128xf32, #tpu.memory_space<vmem>>) offsets(%dma_start3A_81 : memref<128xi32, #tpu.memory_space<vmem>>) semaphore(%arg19 : memref<!tpu.dma_semaphore, #tpu.memory_space<semaphore_mem>>)
    %scan3A = arith.constant 0 : i32
    %scan3A_85 = arith.constant 0 : i32
    %scan3A_86 = arith.constant 25 : i32
    %scan3A_87 = arith.addi %scan3A_85, %scan3A_86 : i32
    %scan3A_88 = arith.constant 1 : i32
    scf.for %scan3A_101 = %scan3A_85 to %scan3A_87 step %scan3A_88  : i32 {
      %mul3A_102 = arith.constant 2 : i32
      %mul3A_103 = arith.muli %mul3A_102, %scan3A_101 : i32
      %gt3A = arith.constant 0 : i32
      %gt3A_104 = arith.cmpi sgt, %scan3A_101, %gt3A : i32
      %convert_element_type3A_105 = arith.extui %gt3A_104 : i1 to i32
      %cond3A_106 = arith.constant 0 : i32
      %cond3A_107 = arith.cmpi ne, %convert_element_type3A_105, %cond3A_106 : i32
      scf.if %cond3A_107 {
        %add3A_160 = arith.constant 1 : i32
        %add3A_161 = arith.addi %mul3A_103, %add3A_160 : i32
        %mul3A_162 = arith.constant 128 : i32
        %mul3A_163 = arith.muli %add3A_161, %mul3A_162 : i32
        %add3A_164 = arith.addi %mul3A_2, %mul3A_163 : i32
        %dma_wait3A_165 = arith.constant 0 : i32
        %dma_wait3A_166 = tpu.memref_slice %arg8[%add3A_164, %dma_wait3A_165] : memref<204800x128xf32, #tpu.memory_space<hbm>> -> memref<128x128xf32, #tpu.memory_space<hbm>>
        %dma_wait3A_167 = arith.constant 0 : i32
        %dma_wait3A_168 = tpu.memref_slice %arg8[%add3A_164, %dma_wait3A_167] : memref<204800x128xf32, #tpu.memory_space<hbm>> -> memref<128x128xf32, #tpu.memory_space<hbm>>
        tpu.wait_dma2 semaphore(%arg23 : memref<!tpu.dma_semaphore, #tpu.memory_space<semaphore_mem>>) src(%arg12 : memref<128x128xf32, #tpu.memory_space<vmem>>) dst(%dma_wait3A_168 : memref<128x128xf32, #tpu.memory_space<hbm>>)
        %mul3A_169 = arith.constant 128 : i32
        %mul3A_170 = arith.muli %add3A_161, %mul3A_169 : i32
        %multiple_of3A_171 = tpu.assume_multiple %mul3A_170, 128 : i32
        %dma_start3A_172 = tpu.memref_slice %arg9[%multiple_of3A_171] : memref<6400xi32, #tpu.memory_space<vmem>> -> memref<128xi32, #tpu.memory_space<vmem>>
        %dma_start3A_173 = arith.constant 0 : i32
        %dma_start3A_174 = arith.constant 0 : i32
        %dma_start3A_175 = tpu.memref_slice %arg4[%dma_start3A_173, %dma_start3A_174] : memref<100000x128xf32, #tpu.memory_space<hbm>> -> memref<100000x128xf32, #tpu.memory_space<hbm>>
        tpu.enqueue_indirect_dma source(%dma_start3A_175 : memref<100000x128xf32, #tpu.memory_space<hbm>>) target(%arg12 : memref<128x128xf32, #tpu.memory_space<vmem>>) offsets(%dma_start3A_172 : memref<128xi32, #tpu.memory_space<vmem>>) semaphore(%arg20 : memref<!tpu.dma_semaphore, #tpu.memory_space<semaphore_mem>>)
        %dma_start3A_176 = tpu.memref_slice %arg10[%multiple_of3A_171] : memref<6400xi32, #tpu.memory_space<vmem>> -> memref<128xi32, #tpu.memory_space<vmem>>
        %dma_start3A_177 = arith.constant 0 : i32
        %dma_start3A_178 = arith.constant 0 : i32
        %dma_start3A_179 = tpu.memref_slice %arg17[%dma_start3A_177, %dma_start3A_178] : memref<400x128xf32, #tpu.memory_space<vmem_shared>> -> memref<400x128xf32, #tpu.memory_space<vmem_shared>>
        tpu.enqueue_indirect_dma source(%dma_start3A_179 : memref<400x128xf32, #tpu.memory_space<vmem_shared>>) target(%arg14 : memref<128x128xf32, #tpu.memory_space<vmem>>) offsets(%dma_start3A_176 : memref<128xi32, #tpu.memory_space<vmem>>) semaphore(%arg21 : memref<!tpu.dma_semaphore, #tpu.memory_space<semaphore_mem>>)
      } else {
      }
      %eq3A_108 = arith.constant 0 : i32
      %eq3A_109 = arith.cmpi eq, %scan3A_101, %eq3A_108 : i32
      %convert_element_type3A_110 = arith.extui %eq3A_109 : i1 to i32
      %cond3A_111 = arith.constant 0 : i32
      %cond3A_112 = arith.cmpi ne, %convert_element_type3A_110, %cond3A_111 : i32
      scf.if %cond3A_112 {
        %add3A_160 = arith.constant 1 : i32
        %add3A_161 = arith.addi %mul3A_103, %add3A_160 : i32
        %mul3A_162 = arith.constant 128 : i32
        %mul3A_163 = arith.muli %add3A_161, %mul3A_162 : i32
        %add3A_164 = arith.addi %mul3A_2, %mul3A_163 : i32
        %mul3A_165 = arith.constant 128 : i32
        %mul3A_166 = arith.muli %add3A_161, %mul3A_165 : i32
        %multiple_of3A_167 = tpu.assume_multiple %mul3A_166, 128 : i32
        %dma_start3A_168 = tpu.memref_slice %arg9[%multiple_of3A_167] : memref<6400xi32, #tpu.memory_space<vmem>> -> memref<128xi32, #tpu.memory_space<vmem>>
        %dma_start3A_169 = arith.constant 0 : i32
        %dma_start3A_170 = arith.constant 0 : i32
        %dma_start3A_171 = tpu.memref_slice %arg4[%dma_start3A_169, %dma_start3A_170] : memref<100000x128xf32, #tpu.memory_space<hbm>> -> memref<100000x128xf32, #tpu.memory_space<hbm>>
        tpu.enqueue_indirect_dma source(%dma_start3A_171 : memref<100000x128xf32, #tpu.memory_space<hbm>>) target(%arg12 : memref<128x128xf32, #tpu.memory_space<vmem>>) offsets(%dma_start3A_168 : memref<128xi32, #tpu.memory_space<vmem>>) semaphore(%arg20 : memref<!tpu.dma_semaphore, #tpu.memory_space<semaphore_mem>>)
        %dma_start3A_172 = tpu.memref_slice %arg10[%multiple_of3A_167] : memref<6400xi32, #tpu.memory_space<vmem>> -> memref<128xi32, #tpu.memory_space<vmem>>
        %dma_start3A_173 = arith.constant 0 : i32
        %dma_start3A_174 = arith.constant 0 : i32
        %dma_start3A_175 = tpu.memref_slice %arg17[%dma_start3A_173, %dma_start3A_174] : memref<400x128xf32, #tpu.memory_space<vmem_shared>> -> memref<400x128xf32, #tpu.memory_space<vmem_shared>>
        tpu.enqueue_indirect_dma source(%dma_start3A_175 : memref<400x128xf32, #tpu.memory_space<vmem_shared>>) target(%arg14 : memref<128x128xf32, #tpu.memory_space<vmem>>) offsets(%dma_start3A_172 : memref<128xi32, #tpu.memory_space<vmem>>) semaphore(%arg21 : memref<!tpu.dma_semaphore, #tpu.memory_space<semaphore_mem>>)
      } else {
      }
      %mul3A_113 = arith.constant 128 : i32
      %mul3A_114 = arith.muli %mul3A_103, %mul3A_113 : i32
      %add3A_115 = arith.addi %mul3A_2, %mul3A_114 : i32
      %mul3A_116 = arith.constant 128 : i32
      %mul3A_117 = arith.muli %mul3A_103, %mul3A_116 : i32
      %multiple_of3A_118 = tpu.assume_multiple %mul3A_117, 128 : i32
      %dma_wait3A_119 = tpu.memref_slice %arg9[%multiple_of3A_118] : memref<6400xi32, #tpu.memory_space<vmem>> -> memref<128xi32, #tpu.memory_space<vmem>>
      %dma_wait3A_120 = arith.constant 0 : i32
      %dma_wait3A_121 = arith.constant 0 : i32
      %dma_wait3A_122 = tpu.memref_slice %arg4[%dma_wait3A_120, %dma_wait3A_121] : memref<100000x128xf32, #tpu.memory_space<hbm>> -> memref<100000x128xf32, #tpu.memory_space<hbm>>
      tpu.wait_indirect_dma semaphore(%arg18 : memref<!tpu.dma_semaphore, #tpu.memory_space<semaphore_mem>>) src(%dma_wait3A_122 : memref<100000x128xf32, #tpu.memory_space<hbm>>) dst(%arg11 : memref<128x128xf32, #tpu.memory_space<vmem>>)
      %dma_wait3A_123 = tpu.memref_slice %arg10[%multiple_of3A_118] : memref<6400xi32, #tpu.memory_space<vmem>> -> memref<128xi32, #tpu.memory_space<vmem>>
      %dma_wait3A_124 = arith.constant 0 : i32
      %dma_wait3A_125 = arith.constant 0 : i32
      %dma_wait3A_126 = tpu.memref_slice %arg17[%dma_wait3A_124, %dma_wait3A_125] : memref<400x128xf32, #tpu.memory_space<vmem_shared>> -> memref<400x128xf32, #tpu.memory_space<vmem_shared>>
      tpu.wait_indirect_dma semaphore(%arg19 : memref<!tpu.dma_semaphore, #tpu.memory_space<semaphore_mem>>) src(%dma_wait3A_126 : memref<400x128xf32, #tpu.memory_space<vmem_shared>>) dst(%arg13 : memref<128x128xf32, #tpu.memory_space<vmem>>)
      %parallel_loop3A = arith.constant 0 : i32
      %parallel_loop3A_127 = arith.constant 128 : i32
      %parallel_loop3A_128 = arith.constant 1 : i32
      scf.for %parallel_loop3A_160 = %parallel_loop3A to %parallel_loop3A_127 step %parallel_loop3A_128  : i32 {
        %parallel_loop3A_161 = arith.constant 0.000000e+00 : f32
        %parallel_loop3A_162 = vector.broadcast %parallel_loop3A_161 : f32 to vector<16xf32>
        %parallel_loop3A_163 = arith.constant 0.000000e+00 : f32
        %parallel_loop3A_164 = vector.broadcast %parallel_loop3A_163 : f32 to vector<16xf32>
        %parallel_loop3A_165 = arith.index_cast %parallel_loop3A_160 : i32 to index
        %parallel_loop3A_166 = arith.constant 0 : index
        %parallel_loop3A_167 = tpu.vector_load %arg11[%parallel_loop3A_165, %parallel_loop3A_166] {strides = array<i32>} : memref<128x128xf32, #tpu.memory_space<vmem>>, vector<1x16xf32>,
        %parallel_loop3A_168 = vector.shape_cast %parallel_loop3A_167 : vector<1x16xf32> to vector<16xf32>
        %parallel_loop3A_169 = arith.index_cast %parallel_loop3A_160 : i32 to index
        %parallel_loop3A_170 = arith.constant 0 : index
        %parallel_loop3A_171 = tpu.vector_load %arg13[%parallel_loop3A_169, %parallel_loop3A_170] {strides = array<i32>} : memref<128x128xf32, #tpu.memory_space<vmem>>, vector<1x16xf32>,
        %parallel_loop3A_172 = vector.shape_cast %parallel_loop3A_171 : vector<1x16xf32> to vector<16xf32>
        %parallel_loop3A_173 = arith.addf %parallel_loop3A_168, %parallel_loop3A_172 : vector<16xf32>
        %parallel_loop3A_174 = arith.addf %parallel_loop3A_162, %parallel_loop3A_173 : vector<16xf32>
        %parallel_loop3A_175 = arith.mulf %parallel_loop3A_173, %parallel_loop3A_173 : vector<16xf32>
        %parallel_loop3A_176 = arith.addf %parallel_loop3A_164, %parallel_loop3A_175 : vector<16xf32>
        %parallel_loop3A_177 = arith.index_cast %parallel_loop3A_160 : i32 to index
        %parallel_loop3A_178 = arith.constant 16 : index
        %parallel_loop3A_179 = tpu.vector_load %arg11[%parallel_loop3A_177, %parallel_loop3A_178] {strides = array<i32>} : memref<128x128xf32, #tpu.memory_space<vmem>>, vector<1x16xf32>,
        %parallel_loop3A_180 = vector.shape_cast %parallel_loop3A_179 : vector<1x16xf32> to vector<16xf32>
        %parallel_loop3A_181 = arith.index_cast %parallel_loop3A_160 : i32 to index
        %parallel_loop3A_182 = arith.constant 16 : index
        %parallel_loop3A_183 = tpu.vector_load %arg13[%parallel_loop3A_181, %parallel_loop3A_182] {strides = array<i32>} : memref<128x128xf32, #tpu.memory_space<vmem>>, vector<1x16xf32>,
        %parallel_loop3A_184 = vector.shape_cast %parallel_loop3A_183 : vector<1x16xf32> to vector<16xf32>
        %parallel_loop3A_185 = arith.addf %parallel_loop3A_180, %parallel_loop3A_184 : vector<16xf32>
        %parallel_loop3A_186 = arith.addf %parallel_loop3A_174, %parallel_loop3A_185 : vector<16xf32>
        %parallel_loop3A_187 = arith.mulf %parallel_loop3A_185, %parallel_loop3A_185 : vector<16xf32>
        %parallel_loop3A_188 = arith.addf %parallel_loop3A_176, %parallel_loop3A_187 : vector<16xf32>
        %parallel_loop3A_189 = arith.index_cast %parallel_loop3A_160 : i32 to index
        %parallel_loop3A_190 = arith.constant 32 : index
        %parallel_loop3A_191 = tpu.vector_load %arg11[%parallel_loop3A_189, %parallel_loop3A_190] {strides = array<i32>} : memref<128x128xf32, #tpu.memory_space<vmem>>, vector<1x16xf32>,
        %parallel_loop3A_192 = vector.shape_cast %parallel_loop3A_191 : vector<1x16xf32> to vector<16xf32>
        %parallel_loop3A_193 = arith.index_cast %parallel_loop3A_160 : i32 to index
        %parallel_loop3A_194 = arith.constant 32 : index
        %parallel_loop3A_195 = tpu.vector_load %arg13[%parallel_loop3A_193, %parallel_loop3A_194] {strides = array<i32>} : memref<128x128xf32, #tpu.memory_space<vmem>>, vector<1x16xf32>,
        %parallel_loop3A_196 = vector.shape_cast %parallel_loop3A_195 : vector<1x16xf32> to vector<16xf32>
        %parallel_loop3A_197 = arith.addf %parallel_loop3A_192, %parallel_loop3A_196 : vector<16xf32>
        %parallel_loop3A_198 = arith.addf %parallel_loop3A_186, %parallel_loop3A_197 : vector<16xf32>
        %parallel_loop3A_199 = arith.mulf %parallel_loop3A_197, %parallel_loop3A_197 : vector<16xf32>
        %parallel_loop3A_200 = arith.addf %parallel_loop3A_188, %parallel_loop3A_199 : vector<16xf32>
        %parallel_loop3A_201 = arith.index_cast %parallel_loop3A_160 : i32 to index
        %parallel_loop3A_202 = arith.constant 48 : index
        %parallel_loop3A_203 = tpu.vector_load %arg11[%parallel_loop3A_201, %parallel_loop3A_202] {strides = array<i32>} : memref<128x128xf32, #tpu.memory_space<vmem>>, vector<1x16xf32>,
        %parallel_loop3A_204 = vector.shape_cast %parallel_loop3A_203 : vector<1x16xf32> to vector<16xf32>
        %parallel_loop3A_205 = arith.index_cast %parallel_loop3A_160 : i32 to index
        %parallel_loop3A_206 = arith.constant 48 : index
        %parallel_loop3A_207 = tpu.vector_load %arg13[%parallel_loop3A_205, %parallel_loop3A_206] {strides = array<i32>} : memref<128x128xf32, #tpu.memory_space<vmem>>, vector<1x16xf32>,
        %parallel_loop3A_208 = vector.shape_cast %parallel_loop3A_207 : vector<1x16xf32> to vector<16xf32>
        %parallel_loop3A_209 = arith.addf %parallel_loop3A_204, %parallel_loop3A_208 : vector<16xf32>
        %parallel_loop3A_210 = arith.addf %parallel_loop3A_198, %parallel_loop3A_209 : vector<16xf32>
        %parallel_loop3A_211 = arith.mulf %parallel_loop3A_209, %parallel_loop3A_209 : vector<16xf32>
        %parallel_loop3A_212 = arith.addf %parallel_loop3A_200, %parallel_loop3A_211 : vector<16xf32>
        %parallel_loop3A_213 = arith.index_cast %parallel_loop3A_160 : i32 to index
        %parallel_loop3A_214 = arith.constant 64 : index
        %parallel_loop3A_215 = tpu.vector_load %arg11[%parallel_loop3A_213, %parallel_loop3A_214] {strides = array<i32>} : memref<128x128xf32, #tpu.memory_space<vmem>>, vector<1x16xf32>,
        %parallel_loop3A_216 = vector.shape_cast %parallel_loop3A_215 : vector<1x16xf32> to vector<16xf32>
        %parallel_loop3A_217 = arith.index_cast %parallel_loop3A_160 : i32 to index
        %parallel_loop3A_218 = arith.constant 64 : index
        %parallel_loop3A_219 = tpu.vector_load %arg13[%parallel_loop3A_217, %parallel_loop3A_218] {strides = array<i32>} : memref<128x128xf32, #tpu.memory_space<vmem>>, vector<1x16xf32>,
        %parallel_loop3A_220 = vector.shape_cast %parallel_loop3A_219 : vector<1x16xf32> to vector<16xf32>
        %parallel_loop3A_221 = arith.addf %parallel_loop3A_216, %parallel_loop3A_220 : vector<16xf32>
        %parallel_loop3A_222 = arith.addf %parallel_loop3A_210, %parallel_loop3A_221 : vector<16xf32>
        %parallel_loop3A_223 = arith.mulf %parallel_loop3A_221, %parallel_loop3A_221 : vector<16xf32>
        %parallel_loop3A_224 = arith.addf %parallel_loop3A_212, %parallel_loop3A_223 : vector<16xf32>
        %parallel_loop3A_225 = arith.index_cast %parallel_loop3A_160 : i32 to index
        %parallel_loop3A_226 = arith.constant 80 : index
        %parallel_loop3A_227 = tpu.vector_load %arg11[%parallel_loop3A_225, %parallel_loop3A_226] {strides = array<i32>} : memref<128x128xf32, #tpu.memory_space<vmem>>, vector<1x16xf32>,
        %parallel_loop3A_228 = vector.shape_cast %parallel_loop3A_227 : vector<1x16xf32> to vector<16xf32>
        %parallel_loop3A_229 = arith.index_cast %parallel_loop3A_160 : i32 to index
        %parallel_loop3A_230 = arith.constant 80 : index
        %parallel_loop3A_231 = tpu.vector_load %arg13[%parallel_loop3A_229, %parallel_loop3A_230] {strides = array<i32>} : memref<128x128xf32, #tpu.memory_space<vmem>>, vector<1x16xf32>,
        %parallel_loop3A_232 = vector.shape_cast %parallel_loop3A_231 : vector<1x16xf32> to vector<16xf32>
        %parallel_loop3A_233 = arith.addf %parallel_loop3A_228, %parallel_loop3A_232 : vector<16xf32>
        %parallel_loop3A_234 = arith.addf %parallel_loop3A_222, %parallel_loop3A_233 : vector<16xf32>
        %parallel_loop3A_235 = arith.mulf %parallel_loop3A_233, %parallel_loop3A_233 : vector<16xf32>
        %parallel_loop3A_236 = arith.addf %parallel_loop3A_224, %parallel_loop3A_235 : vector<16xf32>
        %parallel_loop3A_237 = arith.index_cast %parallel_loop3A_160 : i32 to index
        %parallel_loop3A_238 = arith.constant 96 : index
        %parallel_loop3A_239 = tpu.vector_load %arg11[%parallel_loop3A_237, %parallel_loop3A_238] {strides = array<i32>} : memref<128x128xf32, #tpu.memory_space<vmem>>, vector<1x16xf32>,
        %parallel_loop3A_240 = vector.shape_cast %parallel_loop3A_239 : vector<1x16xf32> to vector<16xf32>
        %parallel_loop3A_241 = arith.index_cast %parallel_loop3A_160 : i32 to index
        %parallel_loop3A_242 = arith.constant 96 : index
        %parallel_loop3A_243 = tpu.vector_load %arg13[%parallel_loop3A_241, %parallel_loop3A_242] {strides = array<i32>} : memref<128x128xf32, #tpu.memory_space<vmem>>, vector<1x16xf32>,
        %parallel_loop3A_244 = vector.shape_cast %parallel_loop3A_243 : vector<1x16xf32> to vector<16xf32>
        %parallel_loop3A_245 = arith.addf %parallel_loop3A_240, %parallel_loop3A_244 : vector<16xf32>
        %parallel_loop3A_246 = arith.addf %parallel_loop3A_234, %parallel_loop3A_245 : vector<16xf32>
        %parallel_loop3A_247 = arith.mulf %parallel_loop3A_245, %parallel_loop3A_245 : vector<16xf32>
        %parallel_loop3A_248 = arith.addf %parallel_loop3A_236, %parallel_loop3A_247 : vector<16xf32>
        %parallel_loop3A_249 = arith.index_cast %parallel_loop3A_160 : i32 to index
        %parallel_loop3A_250 = arith.constant 112 : index
        %parallel_loop3A_251 = tpu.vector_load %arg11[%parallel_loop3A_249, %parallel_loop3A_250] {strides = array<i32>} : memref<128x128xf32, #tpu.memory_space<vmem>>, vector<1x16xf32>,
        %parallel_loop3A_252 = vector.shape_cast %parallel_loop3A_251 : vector<1x16xf32> to vector<16xf32>
        %parallel_loop3A_253 = arith.index_cast %parallel_loop3A_160 : i32 to index
        %parallel_loop3A_254 = arith.constant 112 : index
        %parallel_loop3A_255 = tpu.vector_load %arg13[%parallel_loop3A_253, %parallel_loop3A_254] {strides = array<i32>} : memref<128x128xf32, #tpu.memory_space<vmem>>, vector<1x16xf32>,
        %parallel_loop3A_256 = vector.shape_cast %parallel_loop3A_255 : vector<1x16xf32> to vector<16xf32>
        %parallel_loop3A_257 = arith.addf %parallel_loop3A_252, %parallel_loop3A_256 : vector<16xf32>
        %parallel_loop3A_258 = arith.addf %parallel_loop3A_246, %parallel_loop3A_257 : vector<16xf32>
        %parallel_loop3A_259 = arith.mulf %parallel_loop3A_257, %parallel_loop3A_257 : vector<16xf32>
        %parallel_loop3A_260 = arith.addf %parallel_loop3A_248, %parallel_loop3A_259 : vector<16xf32>
        %parallel_loop3A_261 = arith.constant 0 : i32
        %parallel_loop3A_262 = vector.broadcast %parallel_loop3A_261 : i32 to vector<16xi32>
        %parallel_loop3A_263 = arith.cmpi slt, %rem3A_7, %parallel_loop3A_262 : vector<16xi32>
        %parallel_loop3A_264 = arith.constant 16 : i32
        %parallel_loop3A_265 = vector.broadcast %parallel_loop3A_264 : i32 to vector<16xi32>
        %parallel_loop3A_266 = arith.addi %rem3A_7, %parallel_loop3A_265 : vector<16xi32>
        %parallel_loop3A_267 = arith.select %parallel_loop3A_263, %parallel_loop3A_266, %rem3A_7 : vector<16xi1>, vector<16xi32>
        %parallel_loop3A_268 = vector.shape_cast %parallel_loop3A_267 : vector<16xi32> to vector<16x1xi32>
        %parallel_loop3A_269 = vector.shape_cast %parallel_loop3A_268 : vector<16x1xi32> to vector<16xi32>
        %parallel_loop3A_270 = tpu.dynamic_gather %parallel_loop3A_258[%parallel_loop3A_269] in [0] : vector<16xf32>, vector<16xi32> -> vector<16xf32>
        %parallel_loop3A_271 = arith.addf %parallel_loop3A_258, %parallel_loop3A_270 : vector<16xf32>
        %parallel_loop3A_272 = arith.constant 0 : i32
        %parallel_loop3A_273 = vector.broadcast %parallel_loop3A_272 : i32 to vector<16xi32>
        %parallel_loop3A_274 = arith.cmpi slt, %rem3A_13, %parallel_loop3A_273 : vector<16xi32>
        %parallel_loop3A_275 = arith.constant 16 : i32
        %parallel_loop3A_276 = vector.broadcast %parallel_loop3A_275 : i32 to vector<16xi32>
        %parallel_loop3A_277 = arith.addi %rem3A_13, %parallel_loop3A_276 : vector<16xi32>
        %parallel_loop3A_278 = arith.select %parallel_loop3A_274, %parallel_loop3A_277, %rem3A_13 : vector<16xi1>, vector<16xi32>
        %parallel_loop3A_279 = vector.shape_cast %parallel_loop3A_278 : vector<16xi32> to vector<16x1xi32>
        %parallel_loop3A_280 = vector.shape_cast %parallel_loop3A_279 : vector<16x1xi32> to vector<16xi32>
        %parallel_loop3A_281 = tpu.dynamic_gather %parallel_loop3A_271[%parallel_loop3A_280] in [0] : vector<16xf32>, vector<16xi32> -> vector<16xf32>
        %parallel_loop3A_282 = arith.addf %parallel_loop3A_271, %parallel_loop3A_281 : vector<16xf32>
        %parallel_loop3A_283 = arith.constant 0 : i32
        %parallel_loop3A_284 = vector.broadcast %parallel_loop3A_283 : i32 to vector<16xi32>
        %parallel_loop3A_285 = arith.cmpi slt, %rem3A_19, %parallel_loop3A_284 : vector<16xi32>
        %parallel_loop3A_286 = arith.constant 16 : i32
        %parallel_loop3A_287 = vector.broadcast %parallel_loop3A_286 : i32 to vector<16xi32>
        %parallel_loop3A_288 = arith.addi %rem3A_19, %parallel_loop3A_287 : vector<16xi32>
        %parallel_loop3A_289 = arith.select %parallel_loop3A_285, %parallel_loop3A_288, %rem3A_19 : vector<16xi1>, vector<16xi32>
        %parallel_loop3A_290 = vector.shape_cast %parallel_loop3A_289 : vector<16xi32> to vector<16x1xi32>
        %parallel_loop3A_291 = vector.shape_cast %parallel_loop3A_290 : vector<16x1xi32> to vector<16xi32>
        %parallel_loop3A_292 = tpu.dynamic_gather %parallel_loop3A_282[%parallel_loop3A_291] in [0] : vector<16xf32>, vector<16xi32> -> vector<16xf32>
        %parallel_loop3A_293 = arith.addf %parallel_loop3A_282, %parallel_loop3A_292 : vector<16xf32>
        %parallel_loop3A_294 = arith.constant 0 : i32
        %parallel_loop3A_295 = vector.broadcast %parallel_loop3A_294 : i32 to vector<16xi32>
        %parallel_loop3A_296 = arith.cmpi slt, %rem3A_25, %parallel_loop3A_295 : vector<16xi32>
        %parallel_loop3A_297 = arith.constant 16 : i32
        %parallel_loop3A_298 = vector.broadcast %parallel_loop3A_297 : i32 to vector<16xi32>
        %parallel_loop3A_299 = arith.addi %rem3A_25, %parallel_loop3A_298 : vector<16xi32>
        %parallel_loop3A_300 = arith.select %parallel_loop3A_296, %parallel_loop3A_299, %rem3A_25 : vector<16xi1>, vector<16xi32>
        %parallel_loop3A_301 = vector.shape_cast %parallel_loop3A_300 : vector<16xi32> to vector<16x1xi32>
        %parallel_loop3A_302 = vector.shape_cast %parallel_loop3A_301 : vector<16x1xi32> to vector<16xi32>
        %parallel_loop3A_303 = tpu.dynamic_gather %parallel_loop3A_293[%parallel_loop3A_302] in [0] : vector<16xf32>, vector<16xi32> -> vector<16xf32>
        %parallel_loop3A_304 = arith.addf %parallel_loop3A_293, %parallel_loop3A_303 : vector<16xf32>
        %parallel_loop3A_305 = arith.constant 7.812500e-03 : f32
        %parallel_loop3A_306 = vector.broadcast %parallel_loop3A_305 : f32 to vector<16xf32>
        %parallel_loop3A_307 = arith.mulf %parallel_loop3A_304, %parallel_loop3A_306 : vector<16xf32>
        %parallel_loop3A_308 = arith.constant 0 : i32
        %parallel_loop3A_309 = vector.broadcast %parallel_loop3A_308 : i32 to vector<16xi32>
        %parallel_loop3A_310 = arith.cmpi slt, %rem3A_7, %parallel_loop3A_309 : vector<16xi32>
        %parallel_loop3A_311 = arith.constant 16 : i32
        %parallel_loop3A_312 = vector.broadcast %parallel_loop3A_311 : i32 to vector<16xi32>
        %parallel_loop3A_313 = arith.addi %rem3A_7, %parallel_loop3A_312 : vector<16xi32>
        %parallel_loop3A_314 = arith.select %parallel_loop3A_310, %parallel_loop3A_313, %rem3A_7 : vector<16xi1>, vector<16xi32>
        %parallel_loop3A_315 = vector.shape_cast %parallel_loop3A_314 : vector<16xi32> to vector<16x1xi32>
        %parallel_loop3A_316 = vector.shape_cast %parallel_loop3A_315 : vector<16x1xi32> to vector<16xi32>
        %parallel_loop3A_317 = tpu.dynamic_gather %parallel_loop3A_260[%parallel_loop3A_316] in [0] : vector<16xf32>, vector<16xi32> -> vector<16xf32>
        %parallel_loop3A_318 = arith.addf %parallel_loop3A_260, %parallel_loop3A_317 : vector<16xf32>
        %parallel_loop3A_319 = arith.constant 0 : i32
        %parallel_loop3A_320 = vector.broadcast %parallel_loop3A_319 : i32 to vector<16xi32>
        %parallel_loop3A_321 = arith.cmpi slt, %rem3A_13, %parallel_loop3A_320 : vector<16xi32>
        %parallel_loop3A_322 = arith.constant 16 : i32
        %parallel_loop3A_323 = vector.broadcast %parallel_loop3A_322 : i32 to vector<16xi32>
        %parallel_loop3A_324 = arith.addi %rem3A_13, %parallel_loop3A_323 : vector<16xi32>
        %parallel_loop3A_325 = arith.select %parallel_loop3A_321, %parallel_loop3A_324, %rem3A_13 : vector<16xi1>, vector<16xi32>
        %parallel_loop3A_326 = vector.shape_cast %parallel_loop3A_325 : vector<16xi32> to vector<16x1xi32>
        %parallel_loop3A_327 = vector.shape_cast %parallel_loop3A_326 : vector<16x1xi32> to vector<16xi32>
        %parallel_loop3A_328 = tpu.dynamic_gather %parallel_loop3A_318[%parallel_loop3A_327] in [0] : vector<16xf32>, vector<16xi32> -> vector<16xf32>
        %parallel_loop3A_329 = arith.addf %parallel_loop3A_318, %parallel_loop3A_328 : vector<16xf32>
        %parallel_loop3A_330 = arith.constant 0 : i32
        %parallel_loop3A_331 = vector.broadcast %parallel_loop3A_330 : i32 to vector<16xi32>
        %parallel_loop3A_332 = arith.cmpi slt, %rem3A_19, %parallel_loop3A_331 : vector<16xi32>
        %parallel_loop3A_333 = arith.constant 16 : i32
        %parallel_loop3A_334 = vector.broadcast %parallel_loop3A_333 : i32 to vector<16xi32>
        %parallel_loop3A_335 = arith.addi %rem3A_19, %parallel_loop3A_334 : vector<16xi32>
        %parallel_loop3A_336 = arith.select %parallel_loop3A_332, %parallel_loop3A_335, %rem3A_19 : vector<16xi1>, vector<16xi32>
        %parallel_loop3A_337 = vector.shape_cast %parallel_loop3A_336 : vector<16xi32> to vector<16x1xi32>
        %parallel_loop3A_338 = vector.shape_cast %parallel_loop3A_337 : vector<16x1xi32> to vector<16xi32>
        %parallel_loop3A_339 = tpu.dynamic_gather %parallel_loop3A_329[%parallel_loop3A_338] in [0] : vector<16xf32>, vector<16xi32> -> vector<16xf32>
        %parallel_loop3A_340 = arith.addf %parallel_loop3A_329, %parallel_loop3A_339 : vector<16xf32>
        %parallel_loop3A_341 = arith.constant 0 : i32
        %parallel_loop3A_342 = vector.broadcast %parallel_loop3A_341 : i32 to vector<16xi32>
        %parallel_loop3A_343 = arith.cmpi slt, %rem3A_25, %parallel_loop3A_342 : vector<16xi32>
        %parallel_loop3A_344 = arith.constant 16 : i32
        %parallel_loop3A_345 = vector.broadcast %parallel_loop3A_344 : i32 to vector<16xi32>
        %parallel_loop3A_346 = arith.addi %rem3A_25, %parallel_loop3A_345 : vector<16xi32>
        %parallel_loop3A_347 = arith.select %parallel_loop3A_343, %parallel_loop3A_346, %rem3A_25 : vector<16xi1>, vector<16xi32>
        %parallel_loop3A_348 = vector.shape_cast %parallel_loop3A_347 : vector<16xi32> to vector<16x1xi32>
        %parallel_loop3A_349 = vector.shape_cast %parallel_loop3A_348 : vector<16x1xi32> to vector<16xi32>
        %parallel_loop3A_350 = tpu.dynamic_gather %parallel_loop3A_340[%parallel_loop3A_349] in [0] : vector<16xf32>, vector<16xi32> -> vector<16xf32>
        %parallel_loop3A_351 = arith.addf %parallel_loop3A_340, %parallel_loop3A_350 : vector<16xf32>
        %parallel_loop3A_352 = arith.constant 7.812500e-03 : f32
        %parallel_loop3A_353 = vector.broadcast %parallel_loop3A_352 : f32 to vector<16xf32>
        %parallel_loop3A_354 = arith.mulf %parallel_loop3A_351, %parallel_loop3A_353 : vector<16xf32>
        %parallel_loop3A_355 = arith.mulf %parallel_loop3A_307, %parallel_loop3A_307 : vector<16xf32>
        %parallel_loop3A_356 = arith.subf %parallel_loop3A_354, %parallel_loop3A_355 : vector<16xf32>
        %parallel_loop3A_357 = arith.constant 9.99999996E-13 : f32
        %parallel_loop3A_358 = vector.broadcast %parallel_loop3A_357 : f32 to vector<16xf32>
        %parallel_loop3A_359 = arith.addf %parallel_loop3A_356, %parallel_loop3A_358 : vector<16xf32>
        %parallel_loop3A_360 = vector.extract_strided_slice %parallel_loop3A_359 {offsets = [0], sizes = [1], strides = [1]} : vector<16xf32> to vector<1xf32>
        %parallel_loop3A_361 = vector.extract %parallel_loop3A_360[0] : f32 from vector<1xf32>
        %parallel_loop3A_362 = arith.bitcast %parallel_loop3A_361 : f32 to i32
        %parallel_loop3A_363 = arith.constant 1 : i32
        %parallel_loop3A_364 = arith.shrsi %parallel_loop3A_362, %parallel_loop3A_363 : i32
        %parallel_loop3A_365 = arith.constant 1597463007 : i32
        %parallel_loop3A_366 = arith.subi %parallel_loop3A_365, %parallel_loop3A_364 : i32
        %parallel_loop3A_367 = arith.bitcast %parallel_loop3A_366 : i32 to f32
        %parallel_loop3A_368 = arith.constant 5.000000e-01 : f32
        %parallel_loop3A_369 = arith.mulf %parallel_loop3A_368, %parallel_loop3A_361 : f32
        %parallel_loop3A_370 = arith.mulf %parallel_loop3A_369, %parallel_loop3A_367 : f32
        %parallel_loop3A_371 = arith.mulf %parallel_loop3A_370, %parallel_loop3A_367 : f32
        %parallel_loop3A_372 = arith.constant 1.500000e+00 : f32
        %parallel_loop3A_373 = arith.subf %parallel_loop3A_372, %parallel_loop3A_371 : f32
        %parallel_loop3A_374 = arith.mulf %parallel_loop3A_367, %parallel_loop3A_373 : f32
        %parallel_loop3A_375 = arith.constant 5.000000e-01 : f32
        %parallel_loop3A_376 = arith.mulf %parallel_loop3A_375, %parallel_loop3A_361 : f32
        %parallel_loop3A_377 = arith.mulf %parallel_loop3A_376, %parallel_loop3A_374 : f32
        %parallel_loop3A_378 = arith.mulf %parallel_loop3A_377, %parallel_loop3A_374 : f32
        %parallel_loop3A_379 = arith.constant 1.500000e+00 : f32
        %parallel_loop3A_380 = arith.subf %parallel_loop3A_379, %parallel_loop3A_378 : f32
        %parallel_loop3A_381 = arith.mulf %parallel_loop3A_374, %parallel_loop3A_380 : f32
        %parallel_loop3A_382 = arith.constant 5.000000e-01 : f32
        %parallel_loop3A_383 = arith.mulf %parallel_loop3A_382, %parallel_loop3A_361 : f32
        %parallel_loop3A_384 = arith.mulf %parallel_loop3A_383, %parallel_loop3A_381 : f32
        %parallel_loop3A_385 = arith.mulf %parallel_loop3A_384, %parallel_loop3A_381 : f32
        %parallel_loop3A_386 = arith.constant 1.500000e+00 : f32
        %parallel_loop3A_387 = arith.subf %parallel_loop3A_386, %parallel_loop3A_385 : f32
        %parallel_loop3A_388 = arith.mulf %parallel_loop3A_381, %parallel_loop3A_387 : f32
        %parallel_loop3A_389 = vector.broadcast %parallel_loop3A_388 : f32 to vector<16xf32>
        %parallel_loop3A_390 = arith.subf %parallel_loop3A_173, %parallel_loop3A_307 : vector<16xf32>
        %parallel_loop3A_391 = arith.mulf %parallel_loop3A_390, %parallel_loop3A_389 : vector<16xf32>
        %parallel_loop3A_392 = arith.mulf %parallel_loop3A_391, %get3A_29 : vector<16xf32>
        %parallel_loop3A_393 = arith.addf %parallel_loop3A_392, %get3A_53 : vector<16xf32>
        %parallel_loop3A_394 = arith.index_cast %parallel_loop3A_160 : i32 to index
        %parallel_loop3A_395 = arith.constant 0 : index
        %parallel_loop3A_396 = tpu.vector_load %arg11[%parallel_loop3A_394, %parallel_loop3A_395] {strides = array<i32>} : memref<128x128xf32, #tpu.memory_space<vmem>>, vector<1x16xf32>,
        %parallel_loop3A_397 = vector.shape_cast %parallel_loop3A_396 : vector<1x16xf32> to vector<16xf32>
        %parallel_loop3A_398 = vector.shape_cast %parallel_loop3A_393 : vector<16xf32> to vector<1x16xf32>
        tpu.vector_store %arg11[%parallel_loop3A_394, %parallel_loop3A_395], %parallel_loop3A_398 {strides = array<i32>} : memref<128x128xf32, #tpu.memory_space<vmem>>, vector<1x16xf32>,
        %parallel_loop3A_399 = arith.subf %parallel_loop3A_185, %parallel_loop3A_307 : vector<16xf32>
        %parallel_loop3A_400 = arith.mulf %parallel_loop3A_399, %parallel_loop3A_389 : vector<16xf32>
        %parallel_loop3A_401 = arith.mulf %parallel_loop3A_400, %get3A_32 : vector<16xf32>
        %parallel_loop3A_402 = arith.addf %parallel_loop3A_401, %get3A_56 : vector<16xf32>
        %parallel_loop3A_403 = arith.index_cast %parallel_loop3A_160 : i32 to index
        %parallel_loop3A_404 = arith.constant 16 : index
        %parallel_loop3A_405 = tpu.vector_load %arg11[%parallel_loop3A_403, %parallel_loop3A_404] {strides = array<i32>} : memref<128x128xf32, #tpu.memory_space<vmem>>, vector<1x16xf32>,
        %parallel_loop3A_406 = vector.shape_cast %parallel_loop3A_405 : vector<1x16xf32> to vector<16xf32>
        %parallel_loop3A_407 = vector.shape_cast %parallel_loop3A_402 : vector<16xf32> to vector<1x16xf32>
        tpu.vector_store %arg11[%parallel_loop3A_403, %parallel_loop3A_404], %parallel_loop3A_407 {strides = array<i32>} : memref<128x128xf32, #tpu.memory_space<vmem>>, vector<1x16xf32>,
        %parallel_loop3A_408 = arith.subf %parallel_loop3A_197, %parallel_loop3A_307 : vector<16xf32>
        %parallel_loop3A_409 = arith.mulf %parallel_loop3A_408, %parallel_loop3A_389 : vector<16xf32>
        %parallel_loop3A_410 = arith.mulf %parallel_loop3A_409, %get3A_35 : vector<16xf32>
        %parallel_loop3A_411 = arith.addf %parallel_loop3A_410, %get3A_59 : vector<16xf32>
        %parallel_loop3A_412 = arith.index_cast %parallel_loop3A_160 : i32 to index
        %parallel_loop3A_413 = arith.constant 32 : index
        %parallel_loop3A_414 = tpu.vector_load %arg11[%parallel_loop3A_412, %parallel_loop3A_413] {strides = array<i32>} : memref<128x128xf32, #tpu.memory_space<vmem>>, vector<1x16xf32>,
        %parallel_loop3A_415 = vector.shape_cast %parallel_loop3A_414 : vector<1x16xf32> to vector<16xf32>
        %parallel_loop3A_416 = vector.shape_cast %parallel_loop3A_411 : vector<16xf32> to vector<1x16xf32>
        tpu.vector_store %arg11[%parallel_loop3A_412, %parallel_loop3A_413], %parallel_loop3A_416 {strides = array<i32>} : memref<128x128xf32, #tpu.memory_space<vmem>>, vector<1x16xf32>,
        %parallel_loop3A_417 = arith.subf %parallel_loop3A_209, %parallel_loop3A_307 : vector<16xf32>
        %parallel_loop3A_418 = arith.mulf %parallel_loop3A_417, %parallel_loop3A_389 : vector<16xf32>
        %parallel_loop3A_419 = arith.mulf %parallel_loop3A_418, %get3A_38 : vector<16xf32>
        %parallel_loop3A_420 = arith.addf %parallel_loop3A_419, %get3A_62 : vector<16xf32>
        %parallel_loop3A_421 = arith.index_cast %parallel_loop3A_160 : i32 to index
        %parallel_loop3A_422 = arith.constant 48 : index
        %parallel_loop3A_423 = tpu.vector_load %arg11[%parallel_loop3A_421, %parallel_loop3A_422] {strides = array<i32>} : memref<128x128xf32, #tpu.memory_space<vmem>>, vector<1x16xf32>,
        %parallel_loop3A_424 = vector.shape_cast %parallel_loop3A_423 : vector<1x16xf32> to vector<16xf32>
        %parallel_loop3A_425 = vector.shape_cast %parallel_loop3A_420 : vector<16xf32> to vector<1x16xf32>
        tpu.vector_store %arg11[%parallel_loop3A_421, %parallel_loop3A_422], %parallel_loop3A_425 {strides = array<i32>} : memref<128x128xf32, #tpu.memory_space<vmem>>, vector<1x16xf32>,
        %parallel_loop3A_426 = arith.subf %parallel_loop3A_221, %parallel_loop3A_307 : vector<16xf32>
        %parallel_loop3A_427 = arith.mulf %parallel_loop3A_426, %parallel_loop3A_389 : vector<16xf32>
        %parallel_loop3A_428 = arith.mulf %parallel_loop3A_427, %get3A_41 : vector<16xf32>
        %parallel_loop3A_429 = arith.addf %parallel_loop3A_428, %get3A_65 : vector<16xf32>
        %parallel_loop3A_430 = arith.index_cast %parallel_loop3A_160 : i32 to index
        %parallel_loop3A_431 = arith.constant 64 : index
        %parallel_loop3A_432 = tpu.vector_load %arg11[%parallel_loop3A_430, %parallel_loop3A_431] {strides = array<i32>} : memref<128x128xf32, #tpu.memory_space<vmem>>, vector<1x16xf32>,
        %parallel_loop3A_433 = vector.shape_cast %parallel_loop3A_432 : vector<1x16xf32> to vector<16xf32>
        %parallel_loop3A_434 = vector.shape_cast %parallel_loop3A_429 : vector<16xf32> to vector<1x16xf32>
        tpu.vector_store %arg11[%parallel_loop3A_430, %parallel_loop3A_431], %parallel_loop3A_434 {strides = array<i32>} : memref<128x128xf32, #tpu.memory_space<vmem>>, vector<1x16xf32>,
        %parallel_loop3A_435 = arith.subf %parallel_loop3A_233, %parallel_loop3A_307 : vector<16xf32>
        %parallel_loop3A_436 = arith.mulf %parallel_loop3A_435, %parallel_loop3A_389 : vector<16xf32>
        %parallel_loop3A_437 = arith.mulf %parallel_loop3A_436, %get3A_44 : vector<16xf32>
        %parallel_loop3A_438 = arith.addf %parallel_loop3A_437, %get3A_68 : vector<16xf32>
        %parallel_loop3A_439 = arith.index_cast %parallel_loop3A_160 : i32 to index
        %parallel_loop3A_440 = arith.constant 80 : index
        %parallel_loop3A_441 = tpu.vector_load %arg11[%parallel_loop3A_439, %parallel_loop3A_440] {strides = array<i32>} : memref<128x128xf32, #tpu.memory_space<vmem>>, vector<1x16xf32>,
        %parallel_loop3A_442 = vector.shape_cast %parallel_loop3A_441 : vector<1x16xf32> to vector<16xf32>
        %parallel_loop3A_443 = vector.shape_cast %parallel_loop3A_438 : vector<16xf32> to vector<1x16xf32>
        tpu.vector_store %arg11[%parallel_loop3A_439, %parallel_loop3A_440], %parallel_loop3A_443 {strides = array<i32>} : memref<128x128xf32, #tpu.memory_space<vmem>>, vector<1x16xf32>,
        %parallel_loop3A_444 = arith.subf %parallel_loop3A_245, %parallel_loop3A_307 : vector<16xf32>
        %parallel_loop3A_445 = arith.mulf %parallel_loop3A_444, %parallel_loop3A_389 : vector<16xf32>
        %parallel_loop3A_446 = arith.mulf %parallel_loop3A_445, %get3A_47 : vector<16xf32>
        %parallel_loop3A_447 = arith.addf %parallel_loop3A_446, %get3A_71 : vector<16xf32>
        %parallel_loop3A_448 = arith.index_cast %parallel_loop3A_160 : i32 to index
        %parallel_loop3A_449 = arith.constant 96 : index
        %parallel_loop3A_450 = tpu.vector_load %arg11[%parallel_loop3A_448, %parallel_loop3A_449] {strides = array<i32>} : memref<128x128xf32, #tpu.memory_space<vmem>>, vector<1x16xf32>,
        %parallel_loop3A_451 = vector.shape_cast %parallel_loop3A_450 : vector<1x16xf32> to vector<16xf32>
        %parallel_loop3A_452 = vector.shape_cast %parallel_loop3A_447 : vector<16xf32> to vector<1x16xf32>
        tpu.vector_store %arg11[%parallel_loop3A_448, %parallel_loop3A_449], %parallel_loop3A_452 {strides = array<i32>} : memref<128x128xf32, #tpu.memory_space<vmem>>, vector<1x16xf32>,
        %parallel_loop3A_453 = arith.subf %parallel_loop3A_257, %parallel_loop3A_307 : vector<16xf32>
        %parallel_loop3A_454 = arith.mulf %parallel_loop3A_453, %parallel_loop3A_389 : vector<16xf32>
        %parallel_loop3A_455 = arith.mulf %parallel_loop3A_454, %get3A_50 : vector<16xf32>
        %parallel_loop3A_456 = arith.addf %parallel_loop3A_455, %get3A_74 : vector<16xf32>
        %parallel_loop3A_457 = arith.index_cast %parallel_loop3A_160 : i32 to index
        %parallel_loop3A_458 = arith.constant 112 : index
        %parallel_loop3A_459 = tpu.vector_load %arg11[%parallel_loop3A_457, %parallel_loop3A_458] {strides = array<i32>} : memref<128x128xf32, #tpu.memory_space<vmem>>, vector<1x16xf32>,
        %parallel_loop3A_460 = vector.shape_cast %parallel_loop3A_459 : vector<1x16xf32> to vector<16xf32>
        %parallel_loop3A_461 = vector.shape_cast %parallel_loop3A_456 : vector<16xf32> to vector<1x16xf32>
        tpu.vector_store %arg11[%parallel_loop3A_457, %parallel_loop3A_458], %parallel_loop3A_461 {strides = array<i32>} : memref<128x128xf32, #tpu.memory_space<vmem>>, vector<1x16xf32>,
      } {sc.loop_unroll_factor = 2 : i64, sc.parallel_access}
      %dma_start3A_129 = arith.constant 0 : i32
      %dma_start3A_130 = tpu.memref_slice %arg8[%add3A_115, %dma_start3A_129] : memref<204800x128xf32, #tpu.memory_space<hbm>> -> memref<128x128xf32, #tpu.memory_space<hbm>>
      %dma_start3A_131 = arith.constant 0 : i32
      %dma_start3A_132 = tpu.memref_slice %arg8[%add3A_115, %dma_start3A_131] : memref<204800x128xf32, #tpu.memory_space<hbm>> -> memref<128x128xf32, #tpu.memory_space<hbm>>
      tpu.enqueue_dma source(%arg11 : memref<128x128xf32, #tpu.memory_space<vmem>>) target(%dma_start3A_132 : memref<128x128xf32, #tpu.memory_space<hbm>>) target_semaphore(%arg22 : memref<!tpu.dma_semaphore, #tpu.memory_space<semaphore_mem>>)
      %lt3A = arith.constant 24 : i32
      %lt3A_133 = arith.cmpi slt, %scan3A_101, %lt3A : i32
      %convert_element_type3A_134 = arith.extui %lt3A_133 : i1 to i32
      %cond3A_135 = arith.constant 0 : i32
      %cond3A_136 = arith.cmpi ne, %convert_element_type3A_134, %cond3A_135 : i32
      scf.if %cond3A_136 {
        %add3A_160 = arith.constant 2 : i32
        %add3A_161 = arith.addi %mul3A_103, %add3A_160 : i32
        %mul3A_162 = arith.constant 128 : i32
        %mul3A_163 = arith.muli %add3A_161, %mul3A_162 : i32
        %add3A_164 = arith.addi %mul3A_2, %mul3A_163 : i32
        %dma_wait3A_165 = arith.constant 0 : i32
        %dma_wait3A_166 = tpu.memref_slice %arg8[%add3A_164, %dma_wait3A_165] : memref<204800x128xf32, #tpu.memory_space<hbm>> -> memref<128x128xf32, #tpu.memory_space<hbm>>
        %dma_wait3A_167 = arith.constant 0 : i32
        %dma_wait3A_168 = tpu.memref_slice %arg8[%add3A_164, %dma_wait3A_167] : memref<204800x128xf32, #tpu.memory_space<hbm>> -> memref<128x128xf32, #tpu.memory_space<hbm>>
        tpu.wait_dma2 semaphore(%arg22 : memref<!tpu.dma_semaphore, #tpu.memory_space<semaphore_mem>>) src(%arg11 : memref<128x128xf32, #tpu.memory_space<vmem>>) dst(%dma_wait3A_168 : memref<128x128xf32, #tpu.memory_space<hbm>>)
        %mul3A_169 = arith.constant 128 : i32
        %mul3A_170 = arith.muli %add3A_161, %mul3A_169 : i32
        %multiple_of3A_171 = tpu.assume_multiple %mul3A_170, 128 : i32
        %dma_start3A_172 = tpu.memref_slice %arg9[%multiple_of3A_171] : memref<6400xi32, #tpu.memory_space<vmem>> -> memref<128xi32, #tpu.memory_space<vmem>>
        %dma_start3A_173 = arith.constant 0 : i32
        %dma_start3A_174 = arith.constant 0 : i32
        %dma_start3A_175 = tpu.memref_slice %arg4[%dma_start3A_173, %dma_start3A_174] : memref<100000x128xf32, #tpu.memory_space<hbm>> -> memref<100000x128xf32, #tpu.memory_space<hbm>>
        tpu.enqueue_indirect_dma source(%dma_start3A_175 : memref<100000x128xf32, #tpu.memory_space<hbm>>) target(%arg11 : memref<128x128xf32, #tpu.memory_space<vmem>>) offsets(%dma_start3A_172 : memref<128xi32, #tpu.memory_space<vmem>>) semaphore(%arg18 : memref<!tpu.dma_semaphore, #tpu.memory_space<semaphore_mem>>)
        %dma_start3A_176 = tpu.memref_slice %arg10[%multiple_of3A_171] : memref<6400xi32, #tpu.memory_space<vmem>> -> memref<128xi32, #tpu.memory_space<vmem>>
        %dma_start3A_177 = arith.constant 0 : i32
        %dma_start3A_178 = arith.constant 0 : i32
        %dma_start3A_179 = tpu.memref_slice %arg17[%dma_start3A_177, %dma_start3A_178] : memref<400x128xf32, #tpu.memory_space<vmem_shared>> -> memref<400x128xf32, #tpu.memory_space<vmem_shared>>
        tpu.enqueue_indirect_dma source(%dma_start3A_179 : memref<400x128xf32, #tpu.memory_space<vmem_shared>>) target(%arg13 : memref<128x128xf32, #tpu.memory_space<vmem>>) offsets(%dma_start3A_176 : memref<128xi32, #tpu.memory_space<vmem>>) semaphore(%arg19 : memref<!tpu.dma_semaphore, #tpu.memory_space<semaphore_mem>>)
      } else {
      }
      %add3A_137 = arith.constant 1 : i32
      %add3A_138 = arith.addi %mul3A_103, %add3A_137 : i32
      %mul3A_139 = arith.constant 128 : i32
      %mul3A_140 = arith.muli %add3A_138, %mul3A_139 : i32
      %add3A_141 = arith.addi %mul3A_2, %mul3A_140 : i32
      %mul3A_142 = arith.constant 128 : i32
      %mul3A_143 = arith.muli %add3A_138, %mul3A_142 : i32
      %multiple_of3A_144 = tpu.assume_multiple %mul3A_143, 128 : i32
      %dma_wait3A_145 = tpu.memref_slice %arg9[%multiple_of3A_144] : memref<6400xi32, #tpu.memory_space<vmem>> -> memref<128xi32, #tpu.memory_space<vmem>>
      %dma_wait3A_146 = arith.constant 0 : i32
      %dma_wait3A_147 = arith.constant 0 : i32
      %dma_wait3A_148 = tpu.memref_slice %arg4[%dma_wait3A_146, %dma_wait3A_147] : memref<100000x128xf32, #tpu.memory_space<hbm>> -> memref<100000x128xf32, #tpu.memory_space<hbm>>
      tpu.wait_indirect_dma semaphore(%arg20 : memref<!tpu.dma_semaphore, #tpu.memory_space<semaphore_mem>>) src(%dma_wait3A_148 : memref<100000x128xf32, #tpu.memory_space<hbm>>) dst(%arg12 : memref<128x128xf32, #tpu.memory_space<vmem>>)
      %dma_wait3A_149 = tpu.memref_slice %arg10[%multiple_of3A_144] : memref<6400xi32, #tpu.memory_space<vmem>> -> memref<128xi32, #tpu.memory_space<vmem>>
      %dma_wait3A_150 = arith.constant 0 : i32
      %dma_wait3A_151 = arith.constant 0 : i32
      %dma_wait3A_152 = tpu.memref_slice %arg17[%dma_wait3A_150, %dma_wait3A_151] : memref<400x128xf32, #tpu.memory_space<vmem_shared>> -> memref<400x128xf32, #tpu.memory_space<vmem_shared>>
      tpu.wait_indirect_dma semaphore(%arg21 : memref<!tpu.dma_semaphore, #tpu.memory_space<semaphore_mem>>) src(%dma_wait3A_152 : memref<400x128xf32, #tpu.memory_space<vmem_shared>>) dst(%arg14 : memref<128x128xf32, #tpu.memory_space<vmem>>)
      %parallel_loop3A_153 = arith.constant 0 : i32
      %parallel_loop3A_154 = arith.constant 128 : i32
      %parallel_loop3A_155 = arith.constant 1 : i32
      scf.for %parallel_loop3A_160 = %parallel_loop3A_153 to %parallel_loop3A_154 step %parallel_loop3A_155  : i32 {
        %parallel_loop3A_161 = arith.constant 0.000000e+00 : f32
        %parallel_loop3A_162 = vector.broadcast %parallel_loop3A_161 : f32 to vector<16xf32>
        %parallel_loop3A_163 = arith.constant 0.000000e+00 : f32
        %parallel_loop3A_164 = vector.broadcast %parallel_loop3A_163 : f32 to vector<16xf32>
        %parallel_loop3A_165 = arith.index_cast %parallel_loop3A_160 : i32 to index
        %parallel_loop3A_166 = arith.constant 0 : index
        %parallel_loop3A_167 = tpu.vector_load %arg12[%parallel_loop3A_165, %parallel_loop3A_166] {strides = array<i32>} : memref<128x128xf32, #tpu.memory_space<vmem>>, vector<1x16xf32>,
        %parallel_loop3A_168 = vector.shape_cast %parallel_loop3A_167 : vector<1x16xf32> to vector<16xf32>
        %parallel_loop3A_169 = arith.index_cast %parallel_loop3A_160 : i32 to index
        %parallel_loop3A_170 = arith.constant 0 : index
        %parallel_loop3A_171 = tpu.vector_load %arg14[%parallel_loop3A_169, %parallel_loop3A_170] {strides = array<i32>} : memref<128x128xf32, #tpu.memory_space<vmem>>, vector<1x16xf32>,
        %parallel_loop3A_172 = vector.shape_cast %parallel_loop3A_171 : vector<1x16xf32> to vector<16xf32>
        %parallel_loop3A_173 = arith.addf %parallel_loop3A_168, %parallel_loop3A_172 : vector<16xf32>
        %parallel_loop3A_174 = arith.addf %parallel_loop3A_162, %parallel_loop3A_173 : vector<16xf32>
        %parallel_loop3A_175 = arith.mulf %parallel_loop3A_173, %parallel_loop3A_173 : vector<16xf32>
        %parallel_loop3A_176 = arith.addf %parallel_loop3A_164, %parallel_loop3A_175 : vector<16xf32>
        %parallel_loop3A_177 = arith.index_cast %parallel_loop3A_160 : i32 to index
        %parallel_loop3A_178 = arith.constant 16 : index
        %parallel_loop3A_179 = tpu.vector_load %arg12[%parallel_loop3A_177, %parallel_loop3A_178] {strides = array<i32>} : memref<128x128xf32, #tpu.memory_space<vmem>>, vector<1x16xf32>,
        %parallel_loop3A_180 = vector.shape_cast %parallel_loop3A_179 : vector<1x16xf32> to vector<16xf32>
        %parallel_loop3A_181 = arith.index_cast %parallel_loop3A_160 : i32 to index
        %parallel_loop3A_182 = arith.constant 16 : index
        %parallel_loop3A_183 = tpu.vector_load %arg14[%parallel_loop3A_181, %parallel_loop3A_182] {strides = array<i32>} : memref<128x128xf32, #tpu.memory_space<vmem>>, vector<1x16xf32>,
        %parallel_loop3A_184 = vector.shape_cast %parallel_loop3A_183 : vector<1x16xf32> to vector<16xf32>
        %parallel_loop3A_185 = arith.addf %parallel_loop3A_180, %parallel_loop3A_184 : vector<16xf32>
        %parallel_loop3A_186 = arith.addf %parallel_loop3A_174, %parallel_loop3A_185 : vector<16xf32>
        %parallel_loop3A_187 = arith.mulf %parallel_loop3A_185, %parallel_loop3A_185 : vector<16xf32>
        %parallel_loop3A_188 = arith.addf %parallel_loop3A_176, %parallel_loop3A_187 : vector<16xf32>
        %parallel_loop3A_189 = arith.index_cast %parallel_loop3A_160 : i32 to index
        %parallel_loop3A_190 = arith.constant 32 : index
        %parallel_loop3A_191 = tpu.vector_load %arg12[%parallel_loop3A_189, %parallel_loop3A_190] {strides = array<i32>} : memref<128x128xf32, #tpu.memory_space<vmem>>, vector<1x16xf32>,
        %parallel_loop3A_192 = vector.shape_cast %parallel_loop3A_191 : vector<1x16xf32> to vector<16xf32>
        %parallel_loop3A_193 = arith.index_cast %parallel_loop3A_160 : i32 to index
        %parallel_loop3A_194 = arith.constant 32 : index
        %parallel_loop3A_195 = tpu.vector_load %arg14[%parallel_loop3A_193, %parallel_loop3A_194] {strides = array<i32>} : memref<128x128xf32, #tpu.memory_space<vmem>>, vector<1x16xf32>,
        %parallel_loop3A_196 = vector.shape_cast %parallel_loop3A_195 : vector<1x16xf32> to vector<16xf32>
        %parallel_loop3A_197 = arith.addf %parallel_loop3A_192, %parallel_loop3A_196 : vector<16xf32>
        %parallel_loop3A_198 = arith.addf %parallel_loop3A_186, %parallel_loop3A_197 : vector<16xf32>
        %parallel_loop3A_199 = arith.mulf %parallel_loop3A_197, %parallel_loop3A_197 : vector<16xf32>
        %parallel_loop3A_200 = arith.addf %parallel_loop3A_188, %parallel_loop3A_199 : vector<16xf32>
        %parallel_loop3A_201 = arith.index_cast %parallel_loop3A_160 : i32 to index
        %parallel_loop3A_202 = arith.constant 48 : index
        %parallel_loop3A_203 = tpu.vector_load %arg12[%parallel_loop3A_201, %parallel_loop3A_202] {strides = array<i32>} : memref<128x128xf32, #tpu.memory_space<vmem>>, vector<1x16xf32>,
        %parallel_loop3A_204 = vector.shape_cast %parallel_loop3A_203 : vector<1x16xf32> to vector<16xf32>
        %parallel_loop3A_205 = arith.index_cast %parallel_loop3A_160 : i32 to index
        %parallel_loop3A_206 = arith.constant 48 : index
        %parallel_loop3A_207 = tpu.vector_load %arg14[%parallel_loop3A_205, %parallel_loop3A_206] {strides = array<i32>} : memref<128x128xf32, #tpu.memory_space<vmem>>, vector<1x16xf32>,
        %parallel_loop3A_208 = vector.shape_cast %parallel_loop3A_207 : vector<1x16xf32> to vector<16xf32>
        %parallel_loop3A_209 = arith.addf %parallel_loop3A_204, %parallel_loop3A_208 : vector<16xf32>
        %parallel_loop3A_210 = arith.addf %parallel_loop3A_198, %parallel_loop3A_209 : vector<16xf32>
        %parallel_loop3A_211 = arith.mulf %parallel_loop3A_209, %parallel_loop3A_209 : vector<16xf32>
        %parallel_loop3A_212 = arith.addf %parallel_loop3A_200, %parallel_loop3A_211 : vector<16xf32>
        %parallel_loop3A_213 = arith.index_cast %parallel_loop3A_160 : i32 to index
        %parallel_loop3A_214 = arith.constant 64 : index
        %parallel_loop3A_215 = tpu.vector_load %arg12[%parallel_loop3A_213, %parallel_loop3A_214] {strides = array<i32>} : memref<128x128xf32, #tpu.memory_space<vmem>>, vector<1x16xf32>,
        %parallel_loop3A_216 = vector.shape_cast %parallel_loop3A_215 : vector<1x16xf32> to vector<16xf32>
        %parallel_loop3A_217 = arith.index_cast %parallel_loop3A_160 : i32 to index
        %parallel_loop3A_218 = arith.constant 64 : index
        %parallel_loop3A_219 = tpu.vector_load %arg14[%parallel_loop3A_217, %parallel_loop3A_218] {strides = array<i32>} : memref<128x128xf32, #tpu.memory_space<vmem>>, vector<1x16xf32>,
        %parallel_loop3A_220 = vector.shape_cast %parallel_loop3A_219 : vector<1x16xf32> to vector<16xf32>
        %parallel_loop3A_221 = arith.addf %parallel_loop3A_216, %parallel_loop3A_220 : vector<16xf32>
        %parallel_loop3A_222 = arith.addf %parallel_loop3A_210, %parallel_loop3A_221 : vector<16xf32>
        %parallel_loop3A_223 = arith.mulf %parallel_loop3A_221, %parallel_loop3A_221 : vector<16xf32>
        %parallel_loop3A_224 = arith.addf %parallel_loop3A_212, %parallel_loop3A_223 : vector<16xf32>
        %parallel_loop3A_225 = arith.index_cast %parallel_loop3A_160 : i32 to index
        %parallel_loop3A_226 = arith.constant 80 : index
        %parallel_loop3A_227 = tpu.vector_load %arg12[%parallel_loop3A_225, %parallel_loop3A_226] {strides = array<i32>} : memref<128x128xf32, #tpu.memory_space<vmem>>, vector<1x16xf32>,
        %parallel_loop3A_228 = vector.shape_cast %parallel_loop3A_227 : vector<1x16xf32> to vector<16xf32>
        %parallel_loop3A_229 = arith.index_cast %parallel_loop3A_160 : i32 to index
        %parallel_loop3A_230 = arith.constant 80 : index
        %parallel_loop3A_231 = tpu.vector_load %arg14[%parallel_loop3A_229, %parallel_loop3A_230] {strides = array<i32>} : memref<128x128xf32, #tpu.memory_space<vmem>>, vector<1x16xf32>,
        %parallel_loop3A_232 = vector.shape_cast %parallel_loop3A_231 : vector<1x16xf32> to vector<16xf32>
        %parallel_loop3A_233 = arith.addf %parallel_loop3A_228, %parallel_loop3A_232 : vector<16xf32>
        %parallel_loop3A_234 = arith.addf %parallel_loop3A_222, %parallel_loop3A_233 : vector<16xf32>
        %parallel_loop3A_235 = arith.mulf %parallel_loop3A_233, %parallel_loop3A_233 : vector<16xf32>
        %parallel_loop3A_236 = arith.addf %parallel_loop3A_224, %parallel_loop3A_235 : vector<16xf32>
        %parallel_loop3A_237 = arith.index_cast %parallel_loop3A_160 : i32 to index
        %parallel_loop3A_238 = arith.constant 96 : index
        %parallel_loop3A_239 = tpu.vector_load %arg12[%parallel_loop3A_237, %parallel_loop3A_238] {strides = array<i32>} : memref<128x128xf32, #tpu.memory_space<vmem>>, vector<1x16xf32>,
        %parallel_loop3A_240 = vector.shape_cast %parallel_loop3A_239 : vector<1x16xf32> to vector<16xf32>
        %parallel_loop3A_241 = arith.index_cast %parallel_loop3A_160 : i32 to index
        %parallel_loop3A_242 = arith.constant 96 : index
        %parallel_loop3A_243 = tpu.vector_load %arg14[%parallel_loop3A_241, %parallel_loop3A_242] {strides = array<i32>} : memref<128x128xf32, #tpu.memory_space<vmem>>, vector<1x16xf32>,
        %parallel_loop3A_244 = vector.shape_cast %parallel_loop3A_243 : vector<1x16xf32> to vector<16xf32>
        %parallel_loop3A_245 = arith.addf %parallel_loop3A_240, %parallel_loop3A_244 : vector<16xf32>
        %parallel_loop3A_246 = arith.addf %parallel_loop3A_234, %parallel_loop3A_245 : vector<16xf32>
        %parallel_loop3A_247 = arith.mulf %parallel_loop3A_245, %parallel_loop3A_245 : vector<16xf32>
        %parallel_loop3A_248 = arith.addf %parallel_loop3A_236, %parallel_loop3A_247 : vector<16xf32>
        %parallel_loop3A_249 = arith.index_cast %parallel_loop3A_160 : i32 to index
        %parallel_loop3A_250 = arith.constant 112 : index
        %parallel_loop3A_251 = tpu.vector_load %arg12[%parallel_loop3A_249, %parallel_loop3A_250] {strides = array<i32>} : memref<128x128xf32, #tpu.memory_space<vmem>>, vector<1x16xf32>,
        %parallel_loop3A_252 = vector.shape_cast %parallel_loop3A_251 : vector<1x16xf32> to vector<16xf32>
        %parallel_loop3A_253 = arith.index_cast %parallel_loop3A_160 : i32 to index
        %parallel_loop3A_254 = arith.constant 112 : index
        %parallel_loop3A_255 = tpu.vector_load %arg14[%parallel_loop3A_253, %parallel_loop3A_254] {strides = array<i32>} : memref<128x128xf32, #tpu.memory_space<vmem>>, vector<1x16xf32>,
        %parallel_loop3A_256 = vector.shape_cast %parallel_loop3A_255 : vector<1x16xf32> to vector<16xf32>
        %parallel_loop3A_257 = arith.addf %parallel_loop3A_252, %parallel_loop3A_256 : vector<16xf32>
        %parallel_loop3A_258 = arith.addf %parallel_loop3A_246, %parallel_loop3A_257 : vector<16xf32>
        %parallel_loop3A_259 = arith.mulf %parallel_loop3A_257, %parallel_loop3A_257 : vector<16xf32>
        %parallel_loop3A_260 = arith.addf %parallel_loop3A_248, %parallel_loop3A_259 : vector<16xf32>
        %parallel_loop3A_261 = arith.constant 0 : i32
        %parallel_loop3A_262 = vector.broadcast %parallel_loop3A_261 : i32 to vector<16xi32>
        %parallel_loop3A_263 = arith.cmpi slt, %rem3A_7, %parallel_loop3A_262 : vector<16xi32>
        %parallel_loop3A_264 = arith.constant 16 : i32
        %parallel_loop3A_265 = vector.broadcast %parallel_loop3A_264 : i32 to vector<16xi32>
        %parallel_loop3A_266 = arith.addi %rem3A_7, %parallel_loop3A_265 : vector<16xi32>
        %parallel_loop3A_267 = arith.select %parallel_loop3A_263, %parallel_loop3A_266, %rem3A_7 : vector<16xi1>, vector<16xi32>
        %parallel_loop3A_268 = vector.shape_cast %parallel_loop3A_267 : vector<16xi32> to vector<16x1xi32>
        %parallel_loop3A_269 = vector.shape_cast %parallel_loop3A_268 : vector<16x1xi32> to vector<16xi32>
        %parallel_loop3A_270 = tpu.dynamic_gather %parallel_loop3A_258[%parallel_loop3A_269] in [0] : vector<16xf32>, vector<16xi32> -> vector<16xf32>
        %parallel_loop3A_271 = arith.addf %parallel_loop3A_258, %parallel_loop3A_270 : vector<16xf32>
        %parallel_loop3A_272 = arith.constant 0 : i32
        %parallel_loop3A_273 = vector.broadcast %parallel_loop3A_272 : i32 to vector<16xi32>
        %parallel_loop3A_274 = arith.cmpi slt, %rem3A_13, %parallel_loop3A_273 : vector<16xi32>
        %parallel_loop3A_275 = arith.constant 16 : i32
        %parallel_loop3A_276 = vector.broadcast %parallel_loop3A_275 : i32 to vector<16xi32>
        %parallel_loop3A_277 = arith.addi %rem3A_13, %parallel_loop3A_276 : vector<16xi32>
        %parallel_loop3A_278 = arith.select %parallel_loop3A_274, %parallel_loop3A_277, %rem3A_13 : vector<16xi1>, vector<16xi32>
        %parallel_loop3A_279 = vector.shape_cast %parallel_loop3A_278 : vector<16xi32> to vector<16x1xi32>
        %parallel_loop3A_280 = vector.shape_cast %parallel_loop3A_279 : vector<16x1xi32> to vector<16xi32>
        %parallel_loop3A_281 = tpu.dynamic_gather %parallel_loop3A_271[%parallel_loop3A_280] in [0] : vector<16xf32>, vector<16xi32> -> vector<16xf32>
        %parallel_loop3A_282 = arith.addf %parallel_loop3A_271, %parallel_loop3A_281 : vector<16xf32>
        %parallel_loop3A_283 = arith.constant 0 : i32
        %parallel_loop3A_284 = vector.broadcast %parallel_loop3A_283 : i32 to vector<16xi32>
        %parallel_loop3A_285 = arith.cmpi slt, %rem3A_19, %parallel_loop3A_284 : vector<16xi32>
        %parallel_loop3A_286 = arith.constant 16 : i32
        %parallel_loop3A_287 = vector.broadcast %parallel_loop3A_286 : i32 to vector<16xi32>
        %parallel_loop3A_288 = arith.addi %rem3A_19, %parallel_loop3A_287 : vector<16xi32>
        %parallel_loop3A_289 = arith.select %parallel_loop3A_285, %parallel_loop3A_288, %rem3A_19 : vector<16xi1>, vector<16xi32>
        %parallel_loop3A_290 = vector.shape_cast %parallel_loop3A_289 : vector<16xi32> to vector<16x1xi32>
        %parallel_loop3A_291 = vector.shape_cast %parallel_loop3A_290 : vector<16x1xi32> to vector<16xi32>
        %parallel_loop3A_292 = tpu.dynamic_gather %parallel_loop3A_282[%parallel_loop3A_291] in [0] : vector<16xf32>, vector<16xi32> -> vector<16xf32>
        %parallel_loop3A_293 = arith.addf %parallel_loop3A_282, %parallel_loop3A_292 : vector<16xf32>
        %parallel_loop3A_294 = arith.constant 0 : i32
        %parallel_loop3A_295 = vector.broadcast %parallel_loop3A_294 : i32 to vector<16xi32>
        %parallel_loop3A_296 = arith.cmpi slt, %rem3A_25, %parallel_loop3A_295 : vector<16xi32>
        %parallel_loop3A_297 = arith.constant 16 : i32
        %parallel_loop3A_298 = vector.broadcast %parallel_loop3A_297 : i32 to vector<16xi32>
        %parallel_loop3A_299 = arith.addi %rem3A_25, %parallel_loop3A_298 : vector<16xi32>
        %parallel_loop3A_300 = arith.select %parallel_loop3A_296, %parallel_loop3A_299, %rem3A_25 : vector<16xi1>, vector<16xi32>
        %parallel_loop3A_301 = vector.shape_cast %parallel_loop3A_300 : vector<16xi32> to vector<16x1xi32>
        %parallel_loop3A_302 = vector.shape_cast %parallel_loop3A_301 : vector<16x1xi32> to vector<16xi32>
        %parallel_loop3A_303 = tpu.dynamic_gather %parallel_loop3A_293[%parallel_loop3A_302] in [0] : vector<16xf32>, vector<16xi32> -> vector<16xf32>
        %parallel_loop3A_304 = arith.addf %parallel_loop3A_293, %parallel_loop3A_303 : vector<16xf32>
        %parallel_loop3A_305 = arith.constant 7.812500e-03 : f32
        %parallel_loop3A_306 = vector.broadcast %parallel_loop3A_305 : f32 to vector<16xf32>
        %parallel_loop3A_307 = arith.mulf %parallel_loop3A_304, %parallel_loop3A_306 : vector<16xf32>
        %parallel_loop3A_308 = arith.constant 0 : i32
        %parallel_loop3A_309 = vector.broadcast %parallel_loop3A_308 : i32 to vector<16xi32>
        %parallel_loop3A_310 = arith.cmpi slt, %rem3A_7, %parallel_loop3A_309 : vector<16xi32>
        %parallel_loop3A_311 = arith.constant 16 : i32
        %parallel_loop3A_312 = vector.broadcast %parallel_loop3A_311 : i32 to vector<16xi32>
        %parallel_loop3A_313 = arith.addi %rem3A_7, %parallel_loop3A_312 : vector<16xi32>
        %parallel_loop3A_314 = arith.select %parallel_loop3A_310, %parallel_loop3A_313, %rem3A_7 : vector<16xi1>, vector<16xi32>
        %parallel_loop3A_315 = vector.shape_cast %parallel_loop3A_314 : vector<16xi32> to vector<16x1xi32>
        %parallel_loop3A_316 = vector.shape_cast %parallel_loop3A_315 : vector<16x1xi32> to vector<16xi32>
        %parallel_loop3A_317 = tpu.dynamic_gather %parallel_loop3A_260[%parallel_loop3A_316] in [0] : vector<16xf32>, vector<16xi32> -> vector<16xf32>
        %parallel_loop3A_318 = arith.addf %parallel_loop3A_260, %parallel_loop3A_317 : vector<16xf32>
        %parallel_loop3A_319 = arith.constant 0 : i32
        %parallel_loop3A_320 = vector.broadcast %parallel_loop3A_319 : i32 to vector<16xi32>
        %parallel_loop3A_321 = arith.cmpi slt, %rem3A_13, %parallel_loop3A_320 : vector<16xi32>
        %parallel_loop3A_322 = arith.constant 16 : i32
        %parallel_loop3A_323 = vector.broadcast %parallel_loop3A_322 : i32 to vector<16xi32>
        %parallel_loop3A_324 = arith.addi %rem3A_13, %parallel_loop3A_323 : vector<16xi32>
        %parallel_loop3A_325 = arith.select %parallel_loop3A_321, %parallel_loop3A_324, %rem3A_13 : vector<16xi1>, vector<16xi32>
        %parallel_loop3A_326 = vector.shape_cast %parallel_loop3A_325 : vector<16xi32> to vector<16x1xi32>
        %parallel_loop3A_327 = vector.shape_cast %parallel_loop3A_326 : vector<16x1xi32> to vector<16xi32>
        %parallel_loop3A_328 = tpu.dynamic_gather %parallel_loop3A_318[%parallel_loop3A_327] in [0] : vector<16xf32>, vector<16xi32> -> vector<16xf32>
        %parallel_loop3A_329 = arith.addf %parallel_loop3A_318, %parallel_loop3A_328 : vector<16xf32>
        %parallel_loop3A_330 = arith.constant 0 : i32
        %parallel_loop3A_331 = vector.broadcast %parallel_loop3A_330 : i32 to vector<16xi32>
        %parallel_loop3A_332 = arith.cmpi slt, %rem3A_19, %parallel_loop3A_331 : vector<16xi32>
        %parallel_loop3A_333 = arith.constant 16 : i32
        %parallel_loop3A_334 = vector.broadcast %parallel_loop3A_333 : i32 to vector<16xi32>
        %parallel_loop3A_335 = arith.addi %rem3A_19, %parallel_loop3A_334 : vector<16xi32>
        %parallel_loop3A_336 = arith.select %parallel_loop3A_332, %parallel_loop3A_335, %rem3A_19 : vector<16xi1>, vector<16xi32>
        %parallel_loop3A_337 = vector.shape_cast %parallel_loop3A_336 : vector<16xi32> to vector<16x1xi32>
        %parallel_loop3A_338 = vector.shape_cast %parallel_loop3A_337 : vector<16x1xi32> to vector<16xi32>
        %parallel_loop3A_339 = tpu.dynamic_gather %parallel_loop3A_329[%parallel_loop3A_338] in [0] : vector<16xf32>, vector<16xi32> -> vector<16xf32>
        %parallel_loop3A_340 = arith.addf %parallel_loop3A_329, %parallel_loop3A_339 : vector<16xf32>
        %parallel_loop3A_341 = arith.constant 0 : i32
        %parallel_loop3A_342 = vector.broadcast %parallel_loop3A_341 : i32 to vector<16xi32>
        %parallel_loop3A_343 = arith.cmpi slt, %rem3A_25, %parallel_loop3A_342 : vector<16xi32>
        %parallel_loop3A_344 = arith.constant 16 : i32
        %parallel_loop3A_345 = vector.broadcast %parallel_loop3A_344 : i32 to vector<16xi32>
        %parallel_loop3A_346 = arith.addi %rem3A_25, %parallel_loop3A_345 : vector<16xi32>
        %parallel_loop3A_347 = arith.select %parallel_loop3A_343, %parallel_loop3A_346, %rem3A_25 : vector<16xi1>, vector<16xi32>
        %parallel_loop3A_348 = vector.shape_cast %parallel_loop3A_347 : vector<16xi32> to vector<16x1xi32>
        %parallel_loop3A_349 = vector.shape_cast %parallel_loop3A_348 : vector<16x1xi32> to vector<16xi32>
        %parallel_loop3A_350 = tpu.dynamic_gather %parallel_loop3A_340[%parallel_loop3A_349] in [0] : vector<16xf32>, vector<16xi32> -> vector<16xf32>
        %parallel_loop3A_351 = arith.addf %parallel_loop3A_340, %parallel_loop3A_350 : vector<16xf32>
        %parallel_loop3A_352 = arith.constant 7.812500e-03 : f32
        %parallel_loop3A_353 = vector.broadcast %parallel_loop3A_352 : f32 to vector<16xf32>
        %parallel_loop3A_354 = arith.mulf %parallel_loop3A_351, %parallel_loop3A_353 : vector<16xf32>
        %parallel_loop3A_355 = arith.mulf %parallel_loop3A_307, %parallel_loop3A_307 : vector<16xf32>
        %parallel_loop3A_356 = arith.subf %parallel_loop3A_354, %parallel_loop3A_355 : vector<16xf32>
        %parallel_loop3A_357 = arith.constant 9.99999996E-13 : f32
        %parallel_loop3A_358 = vector.broadcast %parallel_loop3A_357 : f32 to vector<16xf32>
        %parallel_loop3A_359 = arith.addf %parallel_loop3A_356, %parallel_loop3A_358 : vector<16xf32>
        %parallel_loop3A_360 = vector.extract_strided_slice %parallel_loop3A_359 {offsets = [0], sizes = [1], strides = [1]} : vector<16xf32> to vector<1xf32>
        %parallel_loop3A_361 = vector.extract %parallel_loop3A_360[0] : f32 from vector<1xf32>
        %parallel_loop3A_362 = arith.bitcast %parallel_loop3A_361 : f32 to i32
        %parallel_loop3A_363 = arith.constant 1 : i32
        %parallel_loop3A_364 = arith.shrsi %parallel_loop3A_362, %parallel_loop3A_363 : i32
        %parallel_loop3A_365 = arith.constant 1597463007 : i32
        %parallel_loop3A_366 = arith.subi %parallel_loop3A_365, %parallel_loop3A_364 : i32
        %parallel_loop3A_367 = arith.bitcast %parallel_loop3A_366 : i32 to f32
        %parallel_loop3A_368 = arith.constant 5.000000e-01 : f32
        %parallel_loop3A_369 = arith.mulf %parallel_loop3A_368, %parallel_loop3A_361 : f32
        %parallel_loop3A_370 = arith.mulf %parallel_loop3A_369, %parallel_loop3A_367 : f32
        %parallel_loop3A_371 = arith.mulf %parallel_loop3A_370, %parallel_loop3A_367 : f32
        %parallel_loop3A_372 = arith.constant 1.500000e+00 : f32
        %parallel_loop3A_373 = arith.subf %parallel_loop3A_372, %parallel_loop3A_371 : f32
        %parallel_loop3A_374 = arith.mulf %parallel_loop3A_367, %parallel_loop3A_373 : f32
        %parallel_loop3A_375 = arith.constant 5.000000e-01 : f32
        %parallel_loop3A_376 = arith.mulf %parallel_loop3A_375, %parallel_loop3A_361 : f32
        %parallel_loop3A_377 = arith.mulf %parallel_loop3A_376, %parallel_loop3A_374 : f32
        %parallel_loop3A_378 = arith.mulf %parallel_loop3A_377, %parallel_loop3A_374 : f32
        %parallel_loop3A_379 = arith.constant 1.500000e+00 : f32
        %parallel_loop3A_380 = arith.subf %parallel_loop3A_379, %parallel_loop3A_378 : f32
        %parallel_loop3A_381 = arith.mulf %parallel_loop3A_374, %parallel_loop3A_380 : f32
        %parallel_loop3A_382 = arith.constant 5.000000e-01 : f32
        %parallel_loop3A_383 = arith.mulf %parallel_loop3A_382, %parallel_loop3A_361 : f32
        %parallel_loop3A_384 = arith.mulf %parallel_loop3A_383, %parallel_loop3A_381 : f32
        %parallel_loop3A_385 = arith.mulf %parallel_loop3A_384, %parallel_loop3A_381 : f32
        %parallel_loop3A_386 = arith.constant 1.500000e+00 : f32
        %parallel_loop3A_387 = arith.subf %parallel_loop3A_386, %parallel_loop3A_385 : f32
        %parallel_loop3A_388 = arith.mulf %parallel_loop3A_381, %parallel_loop3A_387 : f32
        %parallel_loop3A_389 = vector.broadcast %parallel_loop3A_388 : f32 to vector<16xf32>
        %parallel_loop3A_390 = arith.subf %parallel_loop3A_173, %parallel_loop3A_307 : vector<16xf32>
        %parallel_loop3A_391 = arith.mulf %parallel_loop3A_390, %parallel_loop3A_389 : vector<16xf32>
        %parallel_loop3A_392 = arith.mulf %parallel_loop3A_391, %get3A_29 : vector<16xf32>
        %parallel_loop3A_393 = arith.addf %parallel_loop3A_392, %get3A_53 : vector<16xf32>
        %parallel_loop3A_394 = arith.index_cast %parallel_loop3A_160 : i32 to index
        %parallel_loop3A_395 = arith.constant 0 : index
        %parallel_loop3A_396 = tpu.vector_load %arg12[%parallel_loop3A_394, %parallel_loop3A_395] {strides = array<i32>} : memref<128x128xf32, #tpu.memory_space<vmem>>, vector<1x16xf32>,
        %parallel_loop3A_397 = vector.shape_cast %parallel_loop3A_396 : vector<1x16xf32> to vector<16xf32>
        %parallel_loop3A_398 = vector.shape_cast %parallel_loop3A_393 : vector<16xf32> to vector<1x16xf32>
        tpu.vector_store %arg12[%parallel_loop3A_394, %parallel_loop3A_395], %parallel_loop3A_398 {strides = array<i32>} : memref<128x128xf32, #tpu.memory_space<vmem>>, vector<1x16xf32>,
        %parallel_loop3A_399 = arith.subf %parallel_loop3A_185, %parallel_loop3A_307 : vector<16xf32>
        %parallel_loop3A_400 = arith.mulf %parallel_loop3A_399, %parallel_loop3A_389 : vector<16xf32>
        %parallel_loop3A_401 = arith.mulf %parallel_loop3A_400, %get3A_32 : vector<16xf32>
        %parallel_loop3A_402 = arith.addf %parallel_loop3A_401, %get3A_56 : vector<16xf32>
        %parallel_loop3A_403 = arith.index_cast %parallel_loop3A_160 : i32 to index
        %parallel_loop3A_404 = arith.constant 16 : index
        %parallel_loop3A_405 = tpu.vector_load %arg12[%parallel_loop3A_403, %parallel_loop3A_404] {strides = array<i32>} : memref<128x128xf32, #tpu.memory_space<vmem>>, vector<1x16xf32>,
        %parallel_loop3A_406 = vector.shape_cast %parallel_loop3A_405 : vector<1x16xf32> to vector<16xf32>
        %parallel_loop3A_407 = vector.shape_cast %parallel_loop3A_402 : vector<16xf32> to vector<1x16xf32>
        tpu.vector_store %arg12[%parallel_loop3A_403, %parallel_loop3A_404], %parallel_loop3A_407 {strides = array<i32>} : memref<128x128xf32, #tpu.memory_space<vmem>>, vector<1x16xf32>,
        %parallel_loop3A_408 = arith.subf %parallel_loop3A_197, %parallel_loop3A_307 : vector<16xf32>
        %parallel_loop3A_409 = arith.mulf %parallel_loop3A_408, %parallel_loop3A_389 : vector<16xf32>
        %parallel_loop3A_410 = arith.mulf %parallel_loop3A_409, %get3A_35 : vector<16xf32>
        %parallel_loop3A_411 = arith.addf %parallel_loop3A_410, %get3A_59 : vector<16xf32>
        %parallel_loop3A_412 = arith.index_cast %parallel_loop3A_160 : i32 to index
        %parallel_loop3A_413 = arith.constant 32 : index
        %parallel_loop3A_414 = tpu.vector_load %arg12[%parallel_loop3A_412, %parallel_loop3A_413] {strides = array<i32>} : memref<128x128xf32, #tpu.memory_space<vmem>>, vector<1x16xf32>,
        %parallel_loop3A_415 = vector.shape_cast %parallel_loop3A_414 : vector<1x16xf32> to vector<16xf32>
        %parallel_loop3A_416 = vector.shape_cast %parallel_loop3A_411 : vector<16xf32> to vector<1x16xf32>
        tpu.vector_store %arg12[%parallel_loop3A_412, %parallel_loop3A_413], %parallel_loop3A_416 {strides = array<i32>} : memref<128x128xf32, #tpu.memory_space<vmem>>, vector<1x16xf32>,
        %parallel_loop3A_417 = arith.subf %parallel_loop3A_209, %parallel_loop3A_307 : vector<16xf32>
        %parallel_loop3A_418 = arith.mulf %parallel_loop3A_417, %parallel_loop3A_389 : vector<16xf32>
        %parallel_loop3A_419 = arith.mulf %parallel_loop3A_418, %get3A_38 : vector<16xf32>
        %parallel_loop3A_420 = arith.addf %parallel_loop3A_419, %get3A_62 : vector<16xf32>
        %parallel_loop3A_421 = arith.index_cast %parallel_loop3A_160 : i32 to index
        %parallel_loop3A_422 = arith.constant 48 : index
        %parallel_loop3A_423 = tpu.vector_load %arg12[%parallel_loop3A_421, %parallel_loop3A_422] {strides = array<i32>} : memref<128x128xf32, #tpu.memory_space<vmem>>, vector<1x16xf32>,
        %parallel_loop3A_424 = vector.shape_cast %parallel_loop3A_423 : vector<1x16xf32> to vector<16xf32>
        %parallel_loop3A_425 = vector.shape_cast %parallel_loop3A_420 : vector<16xf32> to vector<1x16xf32>
        tpu.vector_store %arg12[%parallel_loop3A_421, %parallel_loop3A_422], %parallel_loop3A_425 {strides = array<i32>} : memref<128x128xf32, #tpu.memory_space<vmem>>, vector<1x16xf32>,
        %parallel_loop3A_426 = arith.subf %parallel_loop3A_221, %parallel_loop3A_307 : vector<16xf32>
        %parallel_loop3A_427 = arith.mulf %parallel_loop3A_426, %parallel_loop3A_389 : vector<16xf32>
        %parallel_loop3A_428 = arith.mulf %parallel_loop3A_427, %get3A_41 : vector<16xf32>
        %parallel_loop3A_429 = arith.addf %parallel_loop3A_428, %get3A_65 : vector<16xf32>
        %parallel_loop3A_430 = arith.index_cast %parallel_loop3A_160 : i32 to index
        %parallel_loop3A_431 = arith.constant 64 : index
        %parallel_loop3A_432 = tpu.vector_load %arg12[%parallel_loop3A_430, %parallel_loop3A_431] {strides = array<i32>} : memref<128x128xf32, #tpu.memory_space<vmem>>, vector<1x16xf32>,
        %parallel_loop3A_433 = vector.shape_cast %parallel_loop3A_432 : vector<1x16xf32> to vector<16xf32>
        %parallel_loop3A_434 = vector.shape_cast %parallel_loop3A_429 : vector<16xf32> to vector<1x16xf32>
        tpu.vector_store %arg12[%parallel_loop3A_430, %parallel_loop3A_431], %parallel_loop3A_434 {strides = array<i32>} : memref<128x128xf32, #tpu.memory_space<vmem>>, vector<1x16xf32>,
        %parallel_loop3A_435 = arith.subf %parallel_loop3A_233, %parallel_loop3A_307 : vector<16xf32>
        %parallel_loop3A_436 = arith.mulf %parallel_loop3A_435, %parallel_loop3A_389 : vector<16xf32>
        %parallel_loop3A_437 = arith.mulf %parallel_loop3A_436, %get3A_44 : vector<16xf32>
        %parallel_loop3A_438 = arith.addf %parallel_loop3A_437, %get3A_68 : vector<16xf32>
        %parallel_loop3A_439 = arith.index_cast %parallel_loop3A_160 : i32 to index
        %parallel_loop3A_440 = arith.constant 80 : index
        %parallel_loop3A_441 = tpu.vector_load %arg12[%parallel_loop3A_439, %parallel_loop3A_440] {strides = array<i32>} : memref<128x128xf32, #tpu.memory_space<vmem>>, vector<1x16xf32>,
        %parallel_loop3A_442 = vector.shape_cast %parallel_loop3A_441 : vector<1x16xf32> to vector<16xf32>
        %parallel_loop3A_443 = vector.shape_cast %parallel_loop3A_438 : vector<16xf32> to vector<1x16xf32>
        tpu.vector_store %arg12[%parallel_loop3A_439, %parallel_loop3A_440], %parallel_loop3A_443 {strides = array<i32>} : memref<128x128xf32, #tpu.memory_space<vmem>>, vector<1x16xf32>,
        %parallel_loop3A_444 = arith.subf %parallel_loop3A_245, %parallel_loop3A_307 : vector<16xf32>
        %parallel_loop3A_445 = arith.mulf %parallel_loop3A_444, %parallel_loop3A_389 : vector<16xf32>
        %parallel_loop3A_446 = arith.mulf %parallel_loop3A_445, %get3A_47 : vector<16xf32>
        %parallel_loop3A_447 = arith.addf %parallel_loop3A_446, %get3A_71 : vector<16xf32>
        %parallel_loop3A_448 = arith.index_cast %parallel_loop3A_160 : i32 to index
        %parallel_loop3A_449 = arith.constant 96 : index
        %parallel_loop3A_450 = tpu.vector_load %arg12[%parallel_loop3A_448, %parallel_loop3A_449] {strides = array<i32>} : memref<128x128xf32, #tpu.memory_space<vmem>>, vector<1x16xf32>,
        %parallel_loop3A_451 = vector.shape_cast %parallel_loop3A_450 : vector<1x16xf32> to vector<16xf32>
        %parallel_loop3A_452 = vector.shape_cast %parallel_loop3A_447 : vector<16xf32> to vector<1x16xf32>
        tpu.vector_store %arg12[%parallel_loop3A_448, %parallel_loop3A_449], %parallel_loop3A_452 {strides = array<i32>} : memref<128x128xf32, #tpu.memory_space<vmem>>, vector<1x16xf32>,
        %parallel_loop3A_453 = arith.subf %parallel_loop3A_257, %parallel_loop3A_307 : vector<16xf32>
        %parallel_loop3A_454 = arith.mulf %parallel_loop3A_453, %parallel_loop3A_389 : vector<16xf32>
        %parallel_loop3A_455 = arith.mulf %parallel_loop3A_454, %get3A_50 : vector<16xf32>
        %parallel_loop3A_456 = arith.addf %parallel_loop3A_455, %get3A_74 : vector<16xf32>
        %parallel_loop3A_457 = arith.index_cast %parallel_loop3A_160 : i32 to index
        %parallel_loop3A_458 = arith.constant 112 : index
        %parallel_loop3A_459 = tpu.vector_load %arg12[%parallel_loop3A_457, %parallel_loop3A_458] {strides = array<i32>} : memref<128x128xf32, #tpu.memory_space<vmem>>, vector<1x16xf32>,
        %parallel_loop3A_460 = vector.shape_cast %parallel_loop3A_459 : vector<1x16xf32> to vector<16xf32>
        %parallel_loop3A_461 = vector.shape_cast %parallel_loop3A_456 : vector<16xf32> to vector<1x16xf32>
        tpu.vector_store %arg12[%parallel_loop3A_457, %parallel_loop3A_458], %parallel_loop3A_461 {strides = array<i32>} : memref<128x128xf32, #tpu.memory_space<vmem>>, vector<1x16xf32>,
      } {sc.loop_unroll_factor = 2 : i64, sc.parallel_access}
      %dma_start3A_156 = arith.constant 0 : i32
      %dma_start3A_157 = tpu.memref_slice %arg8[%add3A_141, %dma_start3A_156] : memref<204800x128xf32, #tpu.memory_space<hbm>> -> memref<128x128xf32, #tpu.memory_space<hbm>>
      %dma_start3A_158 = arith.constant 0 : i32
      %dma_start3A_159 = tpu.memref_slice %arg8[%add3A_141, %dma_start3A_158] : memref<204800x128xf32, #tpu.memory_space<hbm>> -> memref<128x128xf32, #tpu.memory_space<hbm>>
      tpu.enqueue_dma source(%arg12 : memref<128x128xf32, #tpu.memory_space<vmem>>) target(%dma_start3A_159 : memref<128x128xf32, #tpu.memory_space<hbm>>) target_semaphore(%arg23 : memref<!tpu.dma_semaphore, #tpu.memory_space<semaphore_mem>>)
    }
    %scan3A_89 = arith.constant 25 : i32
    %add3A_90 = arith.constant 6144 : i32
    %add3A_91 = arith.addi %mul3A_2, %add3A_90 : i32
    %dma_wait3A = arith.constant 0 : i32
    %dma_wait3A_92 = tpu.memref_slice %arg8[%add3A_91, %dma_wait3A] : memref<204800x128xf32, #tpu.memory_space<hbm>> -> memref<128x128xf32, #tpu.memory_space<hbm>>
    %dma_wait3A_93 = arith.constant 0 : i32
    %dma_wait3A_94 = tpu.memref_slice %arg8[%add3A_91, %dma_wait3A_93] : memref<204800x128xf32, #tpu.memory_space<hbm>> -> memref<128x128xf32, #tpu.memory_space<hbm>>
    tpu.wait_dma2 semaphore(%arg22 : memref<!tpu.dma_semaphore, #tpu.memory_space<semaphore_mem>>) src(%arg11 : memref<128x128xf32, #tpu.memory_space<vmem>>) dst(%dma_wait3A_94 : memref<128x128xf32, #tpu.memory_space<hbm>>)
    %add3A_95 = arith.constant 128 : i32
    %add3A_96 = arith.addi %add3A_91, %add3A_95 : i32
    %dma_wait3A_97 = arith.constant 0 : i32
    %dma_wait3A_98 = tpu.memref_slice %arg8[%add3A_96, %dma_wait3A_97] : memref<204800x128xf32, #tpu.memory_space<hbm>> -> memref<128x128xf32, #tpu.memory_space<hbm>>
    %dma_wait3A_99 = arith.constant 0 : i32
    %dma_wait3A_100 = tpu.memref_slice %arg8[%add3A_96, %dma_wait3A_99] : memref<204800x128xf32, #tpu.memory_space<hbm>> -> memref<128x128xf32, #tpu.memory_space<hbm>>
    tpu.wait_dma2 semaphore(%arg23 : memref<!tpu.dma_semaphore, #tpu.memory_space<semaphore_mem>>) src(%arg12 : memref<128x128xf32, #tpu.memory_space<vmem>>) dst(%dma_wait3A_100 : memref<128x128xf32, #tpu.memory_space<hbm>>)
    return
  }
}

module attributes {stable_mosaic.version = 14 : i64} {
  func.func @_prep_body(%arg0: memref<200x128xf32, #tpu.memory_space<vmem>>, %arg1: memref<2x128xf32, #tpu.memory_space<vmem>>, %arg2: memref<1600x128xi32, #tpu.memory_space<vmem>>, %arg3: memref<2x200x128xf32, #tpu.memory_space<vmem>>, %arg4: memref<1600x128xi32, #tpu.memory_space<vmem>>) attributes {dimension_semantics = [], scalar_prefetch = 0 : i64, scratch_operands = 0 : i64, tpu.core_type = #tpu.core_type<tc>} {
    %get3A = arith.constant 0 : index
    %get3A_0 = arith.constant 0 : index
    %get3A_1 = vector.load %arg1[%get3A, %get3A_0] : memref<2x128xf32, #tpu.memory_space<vmem>>, vector<2x128xf32>
    %broadcast_in_dim3A = vector.shape_cast %get3A_1 : vector<2x128xf32> to vector<2x1x128xf32>
    %get3A_2 = arith.constant 0 : index
    %get3A_3 = arith.constant 0 : index
    %get3A_4 = vector.load %arg0[%get3A_2, %get3A_3] : memref<200x128xf32, #tpu.memory_space<vmem>>, vector<200x128xf32>
    %broadcast_in_dim3A_5 = vector.shape_cast %get3A_4 : vector<200x128xf32> to vector<1x200x128xf32>
    %add3A = vector.broadcast %broadcast_in_dim3A : vector<2x1x128xf32> to vector<2x200x128xf32>
    %add3A_6 = vector.broadcast %broadcast_in_dim3A_5 : vector<1x200x128xf32> to vector<2x200x128xf32>
    %add3A_7 = arith.addf %add3A, %add3A_6 : vector<2x200x128xf32>
    %swap3A = arith.constant 0 : index
    %swap3A_8 = arith.constant 0 : index
    %swap3A_9 = arith.constant 0 : index
    %swap3A_10 = vector.load %arg3[%swap3A, %swap3A_8, %swap3A_9] : memref<2x200x128xf32, #tpu.memory_space<vmem>>, vector<2x200x128xf32>
    tpu.vector_store %arg3[%swap3A, %swap3A_8, %swap3A_9], %add3A_7 {strides = array<i32>} : memref<2x200x128xf32, #tpu.memory_space<vmem>>, vector<2x200x128xf32>,
    %iota3A = tpu.iota {dimensions = array<i32: 0>} : vector<1600x128xi32>
    %iota3A_11 = tpu.iota {dimensions = array<i32: 1>} : vector<1600x128xi32>
    %mul3A = arith.constant 128 : i32
    %mul3A_12 = vector.broadcast %mul3A : i32 to vector<1600x128xi32>
    %mul3A_13 = arith.muli %iota3A, %mul3A_12 : vector<1600x128xi32>
    %add3A_14 = arith.addi %mul3A_13, %iota3A_11 : vector<1600x128xi32>
    %rem3A = arith.constant 200 : i32
    %rem3A_15 = vector.broadcast %rem3A : i32 to vector<1600x128xi32>
    %rem3A_16 = arith.remsi %add3A_14, %rem3A_15 : vector<1600x128xi32>
    %get3A_17 = arith.constant 0 : index
    %get3A_18 = arith.constant 0 : index
    %get3A_19 = vector.load %arg2[%get3A_17, %get3A_18] : memref<1600x128xi32, #tpu.memory_space<vmem>>, vector<1600x128xi32>
    %mul3A_20 = arith.constant 200 : i32
    %mul3A_21 = vector.broadcast %mul3A_20 : i32 to vector<1600x128xi32>
    %mul3A_22 = arith.muli %get3A_19, %mul3A_21 : vector<1600x128xi32>
    %add3A_23 = arith.addi %mul3A_22, %rem3A_16 : vector<1600x128xi32>
    %swap3A_24 = arith.constant 0 : index
    %swap3A_25 = arith.constant 0 : index
    %swap3A_26 = vector.load %arg4[%swap3A_24, %swap3A_25] : memref<1600x128xi32, #tpu.memory_space<vmem>>, vector<1600x128xi32>
    tpu.vector_store %arg4[%swap3A_24, %swap3A_25], %add3A_23 {strides = array<i32>} : memref<1600x128xi32, #tpu.memory_space<vmem>>, vector<1600x128xi32>,
    return
  }
}

</mosaic_0001>

<sc_bundles>
// kernel: kernel.4.cloned.1.call-start
scs
__scs_entry_jumppad:
0x0: {  	(pc) =	sbr.rel $0x88, $3  }
0x1: {  	(tag) =	ssettag $0x0;
	lr =	simm.s32 $0x1  }
0x2: {  	[smem:$0x3F9A] =	sst lr;
	_ =	strace $0xD0000000  }
0x3: {  	_ = 	snop  }
0x4: {  	_ = 	snop  }
0x5: {  	_ = 	snop  }
0x6: {  	_ = 	snop  }
0x7: {  	_ = 	snop  }
__scs_overlays_trampoline_lowered:
0x8: {  	[smem:$0x3FA9] =	sst s0  }
0x9: {  	[smem:$0x3FAA] =	sst s1  }
0xa: {  	[smem:$0x3FAB] =	sst s2  }
0xb: {  	[smem:$0x3FAC] =	sst s3  }
0xc: {  	[smem:$0x3FAD] =	sst s4  }
0xd: {  	[smem:$0x3FAE] =	sst s5  }
0xe: {  	[smem:$0x3FAF] =	sst s6  }
0xf: {  	[smem:$0x3FB0] =	sst s7  }
0x10: {  	[smem:$0x3FB1] =	sst s8  }
0x11: {  	[smem:$0x3FB2] =	sst s9;
	s0 =	simm.s32 @!p0 $0x0  }
0x12: {  	s1 =	sld [smem:$0x3F98];
	s0 =	simm.s32 @p0 $0x1  }
0x13: {  	[smem:$0x3FB3] =	sst s0;
	s0 =	simm.s32 @!p1 $0x0  }
0x14: {  	s2 =	sld [smem:$0x3F97];
	s0 =	simm.s32 @p1 $0x1  }
0x15: {  	[smem:$0x3FB4] =	sst s0;
	s0 =	simm.s32 @!p2 $0x0  }
0x16: {  	s3 =	sld [smem:$0x3FDB];
	s0 =	simm.s32 @p2 $0x1  }
0x17: {  	s4 =	simm.s32 $0x1BF5;
	[smem:$0x3FB6] =	sst s0  }
0x18: {  	s0 =	sld [smem:$0x3F99];
	_ =	swait.ge [sflag:s4], $0x0  }
0x19: {  	s7 =	sld [smem:$0x3F9A]  }
0x1a: {  	s8 =	sadd.s32 $0xFFFFE003, lr  }
0x1b: {  	s9 =	sadd.s32 $0xFFFFFEF7, lr;
	s5 =	simm.s32 $0xFFFFFFFF;
	p2 =	slt.u32 s8, $0xFFFFF086  }
0x1c: {  	p1 =	slt.u32 s9, $0xF7A;
	s5 =	simm.s32 @!p2 $0x0  }
0x1d: {  	s5 =	simm.s32 @p1 $0x1;
	p0 =	seq.s32 s7, s2  }
0x1e: {  	s7 =	smul.u32 @!p0 $0xF7A, s2;
	p2 =	seq.s32 @!p0 s5, $0x0  }
0x1f: {  	s9 =	smul.u32 $0xF7A, s1;
	s8 =	simm.s32 @!p0 $0x1BF5;
	p2 =	por !p2, p0  }
0x20: {  	[sflag:s8] =	ssyncset.s32 @!p0 $0xFFFFF086;
	s6 =	sadd.s32 @!p0 s3, s7;
	s7 =	simm.s32 @!p0 $0x108  }
0x21: {  	s3 =	sadd.s32 s3, s9;
	s6 =	sadd.s32 @!p0 $0x88, s6;
	s7 =	simm.s32 @p2 $0x1082  }
0x22: {  	[simem:s7], [sflag:s8] =	dma.local @!p0 [hbm:s6], $0xF7A  }
0x23: {  	s9 =	sor.u32 $0xD0000000, s2;
	s6 =	simm.s32 $0x108;
	_ =	swait.ge @!p0 [sflag:s8], $0x0  }
0x24: {  	s3 =	sadd.s32 $0x88, s3;
	s6 =	simm.s32 @!p1 $0x1082;
	[sflag:s4] =	ssyncset.s32 $0xFFFFF086  }
0x25: {  	[simem:s6], [sflag:s4] =	dma.local [hbm:s3], $0xF7A  }
0x26: {  	[smem:$0x3F9A] =	sst s1;
	(tag) =	ssettag s2;
	_ =	strace s9  }
0x27: {  	s1 =	sld [smem:$0x3FAA]  }
0x28: {  	s2 =	sld [smem:$0x3FAB]  }
0x29: {  	s4 =	sld [smem:$0x3FAD]  }
0x2a: {  	p0 =	seq.s32 s5, $0x0;
	s5 =	sld [smem:$0x3FAE]  }
0x2b: {  	s6 =	sld [smem:$0x3FAF]  }
0x2c: {  	s7 =	sld [smem:$0x3FB0]  }
0x2d: {  	s3 =	simm.s32 $0x108;
	s8 =	sld [smem:$0x3FB1]  }
0x2e: {  	s3 =	simm.s32 @!p0 $0x1082;
	s9 =	sld [smem:$0x3FB2]  }
0x2f: {  	lr =	sadd.s32 s0, s3;
	s0 =	sld [smem:$0x3FA9]  }
0x30: {  	s3 =	sld [smem:$0x3FAC]  }
0x31: {  	[smem:$0x3FB5] =	sst s10  }
0x32: {  	s10 =	sld [smem:$0x3FB3];
	_ =	sdelay $0x3  }
0x33: {  	p0 =	seq.s32 s10, $0x1;
	s10 =	sld [smem:$0x3FB5];
	_ =	sdelay $0x3  }
0x34: {  	[smem:$0x3FB5] =	sst s10  }
0x35: {  	s10 =	sld [smem:$0x3FB4];
	_ =	sdelay $0x3  }
0x36: {  	p1 =	seq.s32 s10, $0x1;
	s10 =	sld [smem:$0x3FB5];
	_ =	sdelay $0x3  }
0x37: {  	[smem:$0x3FB5] =	sst s10  }
0x38: {  	s10 =	sld [smem:$0x3FB6]  }
0x39: {  	_ = 	snop;
	(pc) =	sbr.ind lr, $3  }
0x3a: {  	_ = 	snop  }
0x3b: {  	_ = 	snop  }
0x3c: {  	p2 =	seq.s32 s10, $0x1;
	s10 =	sld [smem:$0x3FB5]  }
0x3d: {  	_ =	shalt  }
0x3e: {  	_ =	shalt  }
0x3f: {  	_ =	shalt  }
0x40: {  	_ =	shalt  }
0x41: {  	_ =	shalt  }
0x42: {  	_ =	shalt  }
0x43: {  	_ =	shalt  }
0x44: {  	_ =	shalt  }
0x45: {  	_ =	shalt  }
0x46: {  	_ =	shalt  }
0x47: {  	_ =	shalt  }
0x48: {  	_ =	shalt  }
0x49: {  	_ =	shalt  }
0x4a: {  	_ =	shalt  }
0x4b: {  	_ =	shalt  }
0x4c: {  	_ =	shalt  }
0x4d: {  	_ =	shalt  }
0x4e: {  	_ =	shalt  }
0x4f: {  	_ =	shalt  }
0x50: {  	_ =	shalt  }
0x51: {  	_ =	shalt  }
0x52: {  	_ =	shalt  }
0x53: {  	_ =	shalt  }
0x54: {  	_ =	shalt  }
0x55: {  	_ =	shalt  }
0x56: {  	_ =	shalt  }
0x57: {  	_ =	shalt  }
0x58: {  	_ =	shalt  }
0x59: {  	_ =	shalt  }
0x5a: {  	_ =	shalt  }
0x5b: {  	_ =	shalt  }
0x5c: {  	_ =	shalt  }
0x5d: {  	_ =	shalt  }
0x5e: {  	_ =	shalt  }
0x5f: {  	_ =	shalt  }
0x60: {  	_ =	shalt  }
0x61: {  	_ =	shalt  }
0x62: {  	_ =	shalt  }
0x63: {  	_ =	shalt  }
0x64: {  	_ =	shalt  }
0x65: {  	_ =	shalt  }
0x66: {  	_ =	shalt  }
0x67: {  	_ =	shalt  }
0x68: {  	_ =	shalt  }
0x69: {  	_ =	shalt  }
0x6a: {  	_ =	shalt  }
0x6b: {  	_ =	shalt  }
0x6c: {  	_ =	shalt  }
0x6d: {  	_ =	shalt  }
0x6e: {  	_ =	shalt  }
0x6f: {  	_ =	shalt  }
0x70: {  	_ =	shalt  }
0x71: {  	_ =	shalt  }
0x72: {  	_ =	shalt  }
0x73: {  	_ =	shalt  }
0x74: {  	_ =	shalt  }
0x75: {  	_ =	shalt  }
0x76: {  	_ =	shalt  }
0x77: {  	_ =	shalt  }
0x78: {  	_ =	shalt  }
0x79: {  	_ =	shalt  }
0x7a: {  	_ =	shalt  }
0x7b: {  	_ =	shalt  }
0x7c: {  	_ =	shalt  }
0x7d: {  	_ =	shalt  }
0x7e: {  	_ =	shalt  }
0x7f: {  	_ =	shalt  }
0x80: {  	_ =	shalt  }
0x81: {  	_ =	shalt  }
0x82: {  	_ =	shalt  }
0x83: {  	_ =	shalt  }
0x84: {  	_ =	shalt  }
0x85: {  	_ =	shalt  }
0x86: {  	_ =	shalt  }
0x87: {  	_ =	shalt  }
.Lfunc_end0:
.L_simem_size_0:
called_computation_lowered:
.L_overlay_start_0:
0x88: {  	s2 =	sld [smem:$0x3FD9]  }
0x89: {  	s3 =	sld [smem:$0x3FFE];
	_ =	sdelay $0x1  }
0x8a: {  	s1 =	srdreg.scid  }
0x8b: {  	s0 =	sand.u32 $0x1, s1  }
0x8c: {  	s17 =	sshll.u32 s0, $0xA;
	s2 =	sadd.s32 s3, s2  }
0x8d: {  	s2 =	sadd.s32 s2, s17  }
0x8e: {  	[smem:$0x3FC1] =	sst s2  }
0x8f: {  	_ = 	snop  }
0x90: {  	s2 =	sld [smem:$0x3FC7]  }
0x91: {  	s18 =	sld [smem:$0x3FC4]  }
0x92: {  	s4 =	sld [smem:$0x3FC3]  }
0x93: {  	s5 =	sld [smem:$0x3FD0];
	(tm) =	ssettm $0x1  }
0x94: {  	s6 =	sld [smem:$0x3FFB];
	_ =	sdelay $0x3  }
0x95: {  	_ =	strace s6  }
0x96: {  	s6 =	sld [smem:$0x3FFC];
	_ =	sdelay $0x3  }
0x97: {  	_ =	strace s6  }
0x98: {  	s6 =	sld [smem:$0x3FFD];
	_ =	sdelay $0x3  }
0x99: {  	_ =	strace s6  }
0x9a: {  	_ =	strace $0x8FFFFFFF  }
0x9b: {  	s19 =	sld [smem:$0x3FDB];
	_ =	sdelay $0x1  }
0x9c: {  	s7 =	simm.s32 $_scs_section_size  }
0x9d: {  	s8 =	simm.s32 $_size__tile_overlayer_lowered;
	s9 =	simm.s32 $_tile_overlayer_lowered  }
0x9e: {  	s22 =	simm.s32 $0x1BFF;
	s21 =	sshll.u32 s9, $0x1;
	s6 =	sadd.s32 s7, s19  }
0x9f: {  	s10 =	simm.s32 $0x0;
	s20 =	sshll.u32 s8, $0x1;
	s8 =	sadd.s32 s21, s6  }
0xa0: {  	[timem:s10], [sflag:s22] =	dma.local [hbm:s8], s20  }
0xa1: {  	_ =	swait.ge [sflag:s22], s20  }
0xa2: {  	s7 =	ssub.s32 $0x0, s20;
	[sflag:s22] =	ssyncset.done $0x0  }
0xa3: {  	[sflag:s22] =	ssyncadd.s32 s7;
	_ =	sdelay $0x1  }
0xa4: {  	s23 =	simm.s32 $0x1B8B  }
0xa5: {  	_ =	swait.ge [sflag:s23], $0x1  }
0xa6: {  	[sflag:s23] =	ssyncset.done $0x0  }
0xa7: {  	s25 =	simm.s32 $0x1B8E;
	s24 =	sld [smem:$0x3FFE];
	[sflag:s23] =	ssyncadd.s32 $0xFFFFFFFF  }
0xa8: {  	s26 =	simm.s32 $execute0_lowered;
	[smem:$0x3FD2] =	sst s25  }
0xa9: {  	s8 =	sshll.u32 s26, $0x1;
	_ =	strace $0x80000046;
	[dreg:$0x1] =	wrdreg $0xFFFFFFFF  }
0xaa: {  	s28 =	simm.s32 $_size_execute0_lowered;
	s6 =	sadd.s32 s6, s8;
	[dreg:$0x0] =	wrdreg $0x0  }
0xab: {  	s8 =	sshll.u32 s28, $0x1;
	[dreg:$0x2] =	wrdreg s6  }
0xac: {  	[dreg:$0x3] =	wrdreg s8  }
0xad: {  	[dreg:$0x4] =	wrdreg $0xC0  }
0xae: {  	_ =	task [dreg:s10], $0x5FFFF  }
0xaf: {  	[dreg:$0x1] =	wrdreg $0xFFFFFFFF  }
0xb0: {  	[dreg:$0x0] =	wrdreg $0x60  }
0xb1: {  	[dreg:$0x2] =	wrdreg s24  }
0xb2: {  	[dreg:$0x3] =	wrdreg s2  }
0xb3: {  	[dreg:$0x4] =	wrdreg s18  }
0xb4: {  	[dreg:$0x5] =	wrdreg s4  }
0xb5: {  	[dreg:$0x6] =	wrdreg s5  }
0xb6: {  	[dreg:$0x7] =	wrdreg $0x133000  }
0xb7: {  	[dreg:$0x8] =	wrdreg $0x9  }
0xb8: {  	_ =	task.clear_ibuf [dreg:s10], $0x9FFFF;
	_ =	strace $0x90000046  }
0xb9: {  	s29 =	simm.s32 $0x9;
	_ =	strace $0x80000048  }
0xba: {  	_ =	swait.ge [sflag:s29], $0x1  }
0xbb: {  	[sflag:s29] =	ssyncadd.s32 $0xFFFFFFFF  }
0xbc: {  	_ =	strace $0x90000048  }
0xbd: {  	_ =	sfence  }
0xbe: {  	s30 =	sld [smem:$0x0];
	_ =	sdelay $0x2  }
0xbf: {  	s31 =	sshll.u32 s1, $0xD;
	s1 =	sshrl.u32 s1, $0x2  }
0xc0: {  	s3 =	sand.u32 $0x4000, s31;
	s1 =	sadd.s32 s1, s30  }
0xc1: {  	s0 =	sor.u32 s3, s0;
	s1 =	sshll.u32 s1, $0x11  }
0xc2: {  	s0 =	sor.u32 s1, s0  }
0xc3: {  	s0 =	sadd.s32 $0x8F2B, s0  }
0xc4: {  	[sflag:s0] =	ssyncadd.remote.s32 $0x1  }
0xc5: {  	_ =	sfence.sel $0xFFFF  }
0xc6: {  	[dreg:$0x0] =	wrdreg $0xFFFFFFFF;
	(pc) =	sbr.abs _section_cstart, $3  }
0xc7: {  	[dreg:$0x1] =	wrdreg $0xFFFFFFFF  }
0xc8: {  	_ =	task.clear_ibuf [dreg:s10], $0x2FFFF;
	_ =	strace $0x9FFFFFFF  }
0xc9: {  	(tm) =	ssettm $0x7FFFFFFF  }
tec
execute0_lowered:
.L_overlay_start_1:
0x0: {  	(tag) =	ssettag $0x1  }
0x1: {  	s1 =	rddreg [dreg:$0x0]  }
0x2: {  	s0 =	rddreg [dreg:$0x1]  }
0x3: {  	s2 =	srdreg.scid;
	s3 =	rddreg [dreg:$0x4]  }
0x4: {  	s4 =	stileid.u32;
	s5 =	rddreg [dreg:$0x5]  }
0x5: {  	v0 =	vimm.s32 $0xFEDCBA9;
	v1 =	vimm.s32 $0x87654321;
	s14 =	simm.s32 $0x7;
	s18 =	simm.s32 $0x80;
	s19 =	simm.s32 $0x3200  }
0x6: {  	v2 =	vimm.s32 $0x10FEDCBA;
	v3 =	vimm.s32 $0x98765432;
	s21 =	simm.s32 $0xF200;
	s22 =	simm.s32 $0x1;
	s23 =	simm.s32 $0x2  }
0x7: {  	v4 =	vimm.s32 $0x3210FEDC;
	v5 =	vimm.s32 $0xBA987654;
	v6 =	vimm.s32 $0xFEDCBA98;
	s24 =	simm.s32 $0x3;
	s2 =	sand.u32 $0x1, s2;
	s6 =	sshll.u32 s4, $0x1  }
0x8: {  	v7 =	vimm.s32 $0x76543210;
	s28 =	simm.s32 $0x5;
	s29 =	simm.s32 $0x6;
	v0 =	vunpack.c.l.s4.s8 v0;
	v1 =	vunpack.c.l.s4.s8 v1;
	s7 =	sor.u32 s2, s6  }
0x9: {  	s30 =	simm.s32 $0x0;
	v2 =	vunpack.c.l.s4.s8 v2;
	v3 =	vunpack.c.l.s4.s8 v3;
	p0 =	sne.s32 s4, $0x0;
	v4 =	vunpack.c.l.s4.s8 v4;
	s11 =	smul.u32 $0x1900, s7  }
0xa: {  	v5 =	vunpack.c.l.s4.s8 v5;
	v6 =	vunpack.c.l.s4.s8 v6;
	v7 =	vunpack.c.l.s4.s8 v7;
	s6 =	simm.s32 $0x0;
	s2 =	ssub.s32 $0x2, s2;
	s13 =	sshrl.u32 @!p0 s5, $0x3  }
0xb: {  	[smem:$0x7FF] =	sst s6;
	v0 =	vunpack.c.0.s8.s32 v0;
	s25 =	sshrl.u32 s2, $0x1;
	v1 =	vunpack.c.0.s8.s32 v1;
	v2 =	vunpack.c.0.s8.s32 v2;
	s8 =	sshrl.u32 s11, $0x3  }
0xc: {  	s10 =	smul.u32 $0xC8000, s7;
	v3 =	vunpack.c.0.s8.s32 v3;
	v4 =	vunpack.c.0.s8.s32 v4;
	v5 =	vunpack.c.0.s8.s32 v5;
	s9 =	sadd.s32 s8, s1;
	s1 =	sadd.s32 $0xD400, s1  }
0xd: {  	_ =	strace $0x80000047;
	v0 =	vcombine.low v1, v0;
	v1 =	vunpack.c.0.s8.s32 v6;
	[dreg:$0x7] =	wrdreg s1;
	s26 =	sadd.s32 $0xC00, s9  }
0xe: {  	v2 =	vcombine.low v3, v2;
	v3 =	vcombine.low v5, v4;
	v4 =	vunpack.c.0.s8.s32 v7;
	s1 =	ssub.s32 s2, s25;
	s31 =	sadd.s32 $0x7000, s9;
	[dreg:$0x8] =	wrdreg s26  }
0xf: {  	s11 =	sor.u32 $0x80, s11;
	v0 =	vand.u32 $0xF, v0;
	v5 =	vand.u32 $0xF, v1;
	[dreg:$0x9] =	wrdreg s31;
	s1 =	smax.u32 s1, $0x1  }
0x10: {  	s25 =	simm.s32 $0x4;
	v1 =	vand.u32 $0xF, v2;
	v2 =	vand.u32 $0xF, v3;
	s26 =	simm.s32 $0x7200;
	v3 =	vcombine.low v5, v4;
	[dreg:$0xa] =	wrdreg s1  }
.LBB2_1:
0x11: {  	s1 =	simm.s32 @!p0 $0x1C07;
	s2 =	rddreg [dreg:$0x7]  }
0x12: {  	[spmem:s13], [sflag:s1] =	dma.local @!p0 [hbm:s2], $0x1900  }
0x13: {  	s1 =	simm.s32 @!p0 $0x7  }
0x14: {  	_ =	swait.ge @!p0 [sflag:s1], $0x1900  }
0x15: {  	[sflag:s1] =	ssyncset.done @!p0 $0x0  }
0x16: {  	[sflag:s1] =	ssyncadd.s32 @!p0 $0xFFFFE700  }
0x17: {  	[bflag:$0x0] =	sbarrier.arrive $0xFFFF  }
0x18: {  	s8 =	rddreg [dreg:$0x8]  }
0x19: {  	[tilespmem:s6], [sflag:$0x7] =	stream.linear.gather [hbm4b:s8+s6], $0x1900, $0x38;
	[tilespmem:$0x13F80] =	vst v63  }
0x1a: {  	_ =	swait.ge [sflag:s14], $0x1900  }
0x1b: {  	[sflag:s14] =	ssyncset.done $0x0  }
0x1c: {  	s12 =	simm.s32 $0x1900;
	s9 =	rddreg [dreg:$0x9];
	[sflag:s14] =	ssyncadd.s32 $0xFFFFE700  }
0x1d: {  	[tilespmem:s12], [sflag:$0x7] =	stream.linear.gather [hbm4b:s9+s6], $0x1900, $0x38;
	[tilespmem:$0x13F80] =	vst v63  }
0x1e: {  	_ =	swait.ge [sflag:s14], $0x1900  }
0x1f: {  	[sflag:s14] =	ssyncset.done $0x0  }
0x20: {  	[sflag:s14] =	ssyncadd.s32 $0xFFFFE700  }
0x21: {  	s4 =	simm.s32 $0x13200;
	s15 =	rddreg [dreg:$0x2]  }
0x22: {  	[tilespmem:s4], [sflag:$0x7] =	stream.linear.gather [hbm4b:s15+s6], $0x80, $0x38;
	[tilespmem:$0x13F80] =	vst v63  }
0x23: {  	_ =	swait.ge [sflag:s14], $0x80  }
0x24: {  	[sflag:s14] =	ssyncset.done $0x0  }
0x25: {  	[sflag:s14] =	ssyncadd.s32 $0xFFFFFF80  }
0x26: {  	s17 =	simm.s32 $0x13280;
	s16 =	rddreg [dreg:$0x3]  }
0x27: {  	[tilespmem:s17], [sflag:$0x7] =	stream.linear.gather [hbm4b:s16+s6], $0x80, $0x38;
	[tilespmem:$0x13F80] =	vst v63  }
0x28: {  	_ =	swait.ge [sflag:s14], $0x80  }
0x29: {  	[sflag:s14] =	ssyncset.done $0x0  }
0x2a: {  	[sflag:s14] =	ssyncadd.s32 $0xFFFFFF80  }
0x2b: {  	v4 =	vld [tilespmem:$0x13200]  }
0x2c: {  	v5 =	vld [tilespmem:$0x13210]  }
0x2d: {  	v6 =	vld [tilespmem:$0x13220]  }
0x2e: {  	v7 =	vld [tilespmem:$0x13230]  }
0x2f: {  	v8 =	vld [tilespmem:$0x13240]  }
0x30: {  	v9 =	vld [tilespmem:$0x13250]  }
0x31: {  	v10 =	vld [tilespmem:$0x13260]  }
0x32: {  	v11 =	vld [tilespmem:$0x13270]  }
0x33: {  	v12 =	vld [tilespmem:$0x13280]  }
0x34: {  	v13 =	vld [tilespmem:$0x13290]  }
0x35: {  	v14 =	vld [tilespmem:$0x132A0]  }
0x36: {  	v15 =	vld [tilespmem:$0x132B0]  }
0x37: {  	v16 =	vld [tilespmem:$0x132C0]  }
0x38: {  	v17 =	vld [tilespmem:$0x132D0]  }
0x39: {  	v18 =	vld [tilespmem:$0x132E0]  }
0x3a: {  	v19 =	vld [tilespmem:$0x132F0];
	[tilespmem:s19], [sflag:$0x1] =	stream.indirect.gather [hbm4b:s0+s18], $0x80, s6, s18, $0xb8  }
0x3b: {  	s20 =	simm.s32 $0xB200  }
0x3c: {  	[tilespmem:s20], [sflag:$0x2] =	stream.indirect.gather [spmem:s5], $0x80, s12, s18, $0xb8;
	[tilespmem:$0x13F80] =	vst v63  }
0x3d: {  	s31 =	simm.s32 $0x0;
	[tilespmem:$0x1FFF0] =	vst v4  }
.LBB2_2:
0x3e: {  	p1 =	seq.s32 s31, $0x0  }
0x3f: {  	s1 =	simm.s32 @p1 $0x80;
	s2 =	simm.s32 @p1 $0x7200  }
0x40: {  	[tilespmem:s2], [sflag:$0x3] =	stream.indirect.gather @p1 [hbm4b:s0+s1], $0x80, s1, s1, $0xb8;
	[tilespmem:$0x13F80] =	vst v63  }
0x41: {  	s1 =	simm.s32 @!p1 $0x6  }
0x42: {  	_ =	swait.ge @!p1 [sflag:s1], $0x4000  }
0x43: {  	s4 =	sshll.u32 s31, $0x8;
	s7 =	simm.s32 @!p1 $0x7200;
	[sflag:s1] =	ssyncset.done @!p1 $0x0  }
0x44: {  	s2 =	simm.s32 @!p1 $0x80;
	[sflag:s1] =	ssyncadd.s32 @!p1 $0xFFFFC000;
	s1 =	sor.u32 @!p1 $0x80, s4  }
0x45: {  	[tilespmem:s7], [sflag:$0x3] =	stream.indirect.gather @!p1 [hbm4b:s0+s2], $0x80, s1, s2, $0xb8;
	[tilespmem:$0x13F80] =	vst v63  }
0x46: {  	s1 =	sadd.s32 @!p1 $0x1980, s4  }
0x47: {  	s1 =	simm.s32 @p1 $0x1980  }
0x48: {  	[tilespmem:s21], [sflag:$0x4] =	stream.indirect.gather [spmem:s5], $0x80, s1, s18, $0xb8;
	[tilespmem:$0x13F80] =	vst v63  }
0x49: {  	_ =	swait.ge [sflag:s22], $0x4000  }
0x4a: {  	[sflag:s22] =	ssyncset.done $0x0  }
0x4b: {  	[sflag:s22] =	ssyncadd.s32 $0xFFFFC000  }
0x4c: {  	_ =	swait.ge [sflag:s23], $0x4000  }
0x4d: {  	[sflag:s23] =	ssyncset.done $0x0  }
0x4e: {  	s1 =	simm.s32 $0x3280;
	[sflag:s23] =	ssyncadd.s32 $0xFFFFC000  }
0x4f: {  	v21 =	vld [tilespmem:s1+$0x20]  }
0x50: {  	s16 =	simm.s32 $0xB280;
	v20 =	vld [tilespmem:s1+$0x0]  }
0x51: {  	v22 =	vld [tilespmem:s16+$0x0]  }
0x52: {  	v23 =	vld [tilespmem:s1+$0x10]  }
0x53: {  	v24 =	vld [tilespmem:s16+$0x10]  }
0x54: {  	v25 =	vld [tilespmem:s16+$0x20]  }
0x55: {  	v26 =	vld [tilespmem:s1+$0x30]  }
0x56: {  	v27 =	vld [tilespmem:s16+$0x30];
	v20 =	vadd.f32 v22, v20  }
0x57: {  	v28 =	vld [tilespmem:s1+$0x40]  }
0x58: {  	v30 =	vld [tilespmem:s16+$0x40];
	v23 =	vadd.f32 v24, v23;
	v29 =	vadd.f32 $0.0e+00, v20  }
0x59: {  	v32 =	vld [tilespmem:s16+$0x50];
	v22 =	vadd.f32 v25, v21  }
0x5a: {  	v21 =	vld [tilespmem:s1+$0x50];
	v25 =	vmul.f32 v20, v20;
	v31 =	vmul.f32 v23, v23;
	v29 =	vadd.f32 v23, v29  }
0x5b: {  	v24 =	vadd.f32 v27, v26;
	v26 =	vld [tilespmem:s1+$0x60]  }
0x5c: {  	v25 =	vadd.f32 v31, v25;
	v31 =	vld [tilespmem:s16+$0x60];
	v27 =	vadd.f32 v22, v29;
	v29 =	vmul.f32 v22, v22  }
0x5d: {  	v33 =	vld [tilespmem:s16+$0x70];
	v28 =	vadd.f32 v30, v28  }
0x5e: {  	v30 =	vld [tilespmem:s1+$0x70];
	v25 =	vadd.f32 v29, v25;
	v27 =	vadd.f32 v24, v27;
	v29 =	vmul.f32 v24, v24  }
0x5f: {  	v32 =	vadd.f32 v32, v21  }
0x60: {  	v21 =	vadd.f32 v29, v25;
	v25 =	vadd.f32 v28, v27;
	v27 =	vmul.f32 v28, v28  }
0x61: {  	v31 =	vadd.f32 v31, v26  }
0x62: {  	v34 =	vmul.f32 v32, v32;
	v26 =	vld [tilespmem:s1+$0xFFFFFF80];
	v27 =	vadd.f32 v27, v21;
	v25 =	vadd.f32 v32, v25  }
0x63: {  	v29 =	vld [tilespmem:s16+$0xFFFFFF80];
	v21 =	vadd.f32 v33, v30  }
0x64: {  	v35 =	vld [tilespmem:s1+$0xFFFFFF90];
	v54 =	vmul.f32 v31, v31;
	v27 =	vadd.f32 v34, v27;
	v25 =	vadd.f32 v31, v25  }
0x65: {  	v55 =	vld [tilespmem:s1+$0xFFFFFFA0]  }
0x66: {  	v30 =	vld [tilespmem:s16+$0xFFFFFF90];
	v56 =	vmul.f32 v21, v21;
	v27 =	vadd.f32 v54, v27;
	v25 =	vadd.f32 v21, v25  }
0x67: {  	v36 =	vld [tilespmem:s16+$0xFFFFFFA0]  }
0x68: {  	v38 =	vadd.f32 v29, v26;
	v26 =	vld [tilespmem:s1+$0xFFFFFFB0];
	v27 =	vadd.f32 v56, v27;
	v57 =	vperm.xlane v25, v0  }
0x69: {  	v29 =	vld [tilespmem:s16+$0xFFFFFFB0]  }
0x6a: {  	v58 =	vld [tilespmem:s1+$0xFFFFFFC0];
	v25 =	vadd.f32 v25, v57;
	v59 =	vperm.xlane v27, v0  }
0x6b: {  	v40 =	vld [tilespmem:s16+$0xFFFFFFC0];
	v37 =	vadd.f32 $0.0e+00, v38;
	v30 =	vadd.f32 v30, v35  }
0x6c: {  	v60 =	vld [tilespmem:s1+$0xFFFFFFD0];
	v34 =	vadd.f32 v36, v55;
	v42 =	vperm.xlane v25, v1;
	v27 =	vadd.f32 v59, v27  }
0x6d: {  	v61 =	vld [tilespmem:s16+$0xFFFFFFD0];
	v39 =	vmul.f32 v38, v38;
	v37 =	vadd.f32 v30, v37;
	v41 =	vmul.f32 v30, v30  }
0x6e: {  	v43 =	vld [tilespmem:s1+$0xFFFFFFE0];
	v44 =	vadd.f32 v29, v26;
	v25 =	vadd.f32 v25, v42;
	v26 =	vperm.xlane v27, v1  }
0x6f: {  	v62 =	vmul.f32 v34, v34;
	v29 =	vld [tilespmem:s16+$0xFFFFFFE0];
	v39 =	vadd.f32 v41, v39;
	v37 =	vadd.f32 v34, v37  }
0x70: {  	v63 =	vld [tilespmem:s1+$0xFFFFFFF0];
	v35 =	vadd.f32 v40, v58;
	v42 =	vperm.xlane v25, v2;
	v26 =	vadd.f32 v26, v27  }
0x71: {  	v52 =	vmul.f32 v44, v44;
	v39 =	vadd.f32 v62, v39;
	v37 =	vadd.f32 v44, v37;
	v27 =	vld [tilespmem:s16+$0xFFFFFFF0]  }
0x72: {  	v33 =	vadd.f32 v61, v60;
	v25 =	vadd.f32 v25, v42;
	v53 =	vperm.xlane v26, v2  }
0x73: {  	v45 =	vmul.f32 v35, v35;
	v39 =	vadd.f32 v52, v39;
	v37 =	vadd.f32 v35, v37  }
0x74: {  	v48 =	vadd.f32 v29, v43;
	v55 =	vperm.xlane v25, v3;
	v26 =	vadd.f32 v53, v26  }
0x75: {  	v56 =	vmul.f32 v33, v33;
	v54 =	vadd.f32 v45, v39;
	v37 =	vadd.f32 v33, v37  }
0x76: {  	v50 =	vadd.f32 v27, v63;
	v25 =	vadd.f32 v25, v55;
	v27 =	vperm.xlane v26, v3  }
0x77: {  	v58 =	vmul.f32 v48, v48;
	v29 =	vadd.f32 v56, v54;
	v57 =	vadd.f32 v48, v37  }
0x78: {  	v25 =	vmul.f32 $7.812500000e-03, v25;
	v26 =	vadd.f32 v27, v26  }
0x79: {  	v29 =	vadd.f32 v58, v29;
	v36 =	vadd.f32 v50, v57;
	v27 =	vmul.f32 v50, v50  }
0x7a: {  	v59 =	vmul.f32 v25, v25;
	(v2sf) =	vpush v26, $0x0  }
0x7b: {  	v26 =	vadd.f32 v27, v29;
	v27 =	vperm.xlane v36, v0  }
0x7c: {  	(v2sf) =	vpush v59, $0x0  }
0x7d: {  	v27 =	vadd.f32 v36, v27;
	v29 =	vperm.xlane v26, v0;
	_ =	sdelay $0x1  }
0x7e: {  	v36 =	vperm.xlane v27, v1;
	v26 =	vadd.f32 v29, v26;
	_ =	sdelay $0x1  }
0x7f: {  	v27 =	vadd.f32 v27, v36;
	v29 =	vperm.xlane v26, v1;
	_ =	sdelay $0x1  }
0x80: {  	v36 =	vperm.xlane v27, v2;
	v26 =	vadd.f32 v29, v26  }
0x81: {  	s2 =	simm.s32 $0x3380  }
0x82: {  	v60 =	vld [tilespmem:s2+$0x20];
	s16 =	simm.s32 $0xB380;
	v27 =	vadd.f32 v27, v36;
	v29 =	vperm.xlane v26, v2  }
0x83: {  	v49 =	vld [tilespmem:s16+$0x10]  }
0x84: {  	v63 =	vld [tilespmem:s2+$0x10];
	v36 =	vperm.xlane v27, v3;
	v26 =	vadd.f32 v29, v26  }
0x85: {  	v61 =	vld [tilespmem:s2+$0x0]  }
0x86: {  	v62 =	vld [tilespmem:s16+$0x0];
	v27 =	vadd.f32 v27, v36;
	v29 =	vperm.xlane v26, v3;
	s17 =	spop (v2sf)  }
0x87: {  	v52 =	vld [tilespmem:s2+$0x30];
	s7 =	smul.f32 $7.812500000e-03, s17  }
0x88: {  	v56 =	vld [tilespmem:s16+$0x40];
	v54 =	vmul.f32 $7.812500000e-03, v27;
	v26 =	vadd.f32 v29, v26;
	s15 =	spop (v2sf)  }
0x89: {  	v53 =	vld [tilespmem:s16+$0x30];
	v37 =	vsub.f32 v28, v25;
	v42 =	vadd.f32 v49, v63;
	s7 =	ssub.f32 s7, s15  }
0x8a: {  	v29 =	vsub.f32 v20, v25;
	v20 =	vld [tilespmem:s16+$0x20];
	v51 =	vmul.f32 v54, v54;
	(v2sf) =	vpush v26, $0x0  }
0x8b: {  	v28 =	vld [tilespmem:s2+$0x40];
	v39 =	vsub.f32 v31, v25;
	v26 =	vadd.f32 v62, v61;
	s7 =	sadd.f32 $9.999999960e-13, s7  }
0x8c: {  	v27 =	vsub.f32 v23, v25;
	(v2sf) =	vpush v51, $0x0  }
0x8d: {  	v23 =	vsub.f32 v22, v25;
	v55 =	vadd.f32 $0.0e+00, v26;
	s20 =	sshra.s32 s7, $0x1;
	s7 =	smul.f32 $5.000000000e-01, s7  }
0x8e: {  	v47 =	vld [tilespmem:s16+$0x50];
	v57 =	vmul.f32 v42, v42;
	v22 =	vsub.f32 v24, v25;
	v24 =	vsub.f32 v32, v25;
	s15 =	ssub.s32 $0x5F3759DF, s20  }
0x8f: {  	v31 =	vmul.f32 v26, v26;
	v43 =	vadd.f32 v20, v60;
	v20 =	vld [tilespmem:s2+$0x50];
	v32 =	vadd.f32 v42, v55;
	s17 =	smul.f32 s15, s7  }
0x90: {  	v58 =	vld [tilespmem:s2+$0x60];
	v45 =	vadd.f32 v53, v52;
	v46 =	vadd.f32 v56, v28  }
0x91: {  	v51 =	vld [tilespmem:s16+$0x60];
	v31 =	vadd.f32 v57, v31;
	v49 =	vmul.f32 v43, v43;
	v32 =	vadd.f32 v43, v32;
	s17 =	smul.f32 s15, s17  }
0x92: {  	v53 =	vld [tilespmem:s16+$0x70];
	v38 =	vsub.f32 v38, v54;
	v40 =	vsub.f32 v30, v54  }
0x93: {  	v59 =	vmul.f32 v45, v45;
	v28 =	vld [tilespmem:s2+$0x70];
	v30 =	vadd.f32 v49, v31;
	v31 =	vadd.f32 v45, v32;
	s17 =	ssub.f32 $1.500000000e+00, s17  }
0x94: {  	v41 =	vsub.f32 v34, v54;
	v34 =	vld [tilespmem:s16+$0xFFFFFF80];
	v49 =	vadd.f32 v47, v20  }
0x95: {  	v61 =	vld [tilespmem:s16+$0xFFFFFF90];
	v20 =	vadd.f32 v59, v30;
	v30 =	vadd.f32 v46, v31;
	v31 =	vmul.f32 v46, v46;
	s15 =	smul.f32 s15, s17  }
0x96: {  	v44 =	vsub.f32 v44, v54;
	v60 =	vld [tilespmem:s2+$0xFFFFFF90];
	v52 =	vadd.f32 v51, v58  }
0x97: {  	v55 =	vld [tilespmem:s2+$0xFFFFFF80];
	v62 =	vmul.f32 v49, v49;
	v31 =	vadd.f32 v31, v20;
	v30 =	vadd.f32 v49, v30;
	s17 =	smul.f32 s15, s7  }
0x98: {  	v47 =	vsub.f32 v35, v54;
	v20 =	vadd.f32 v53, v28  }
0x99: {  	v35 =	vld [tilespmem:s2+$0xFFFFFFA0];
	v28 =	vadd.f32 v62, v31;
	v30 =	vadd.f32 v52, v30;
	v31 =	vmul.f32 v52, v52;
	s20 =	spop (v2sf);
	s17 =	smul.f32 s17, s15  }
0x9a: {  	v51 =	vsub.f32 v48, v54;
	v53 =	vsub.f32 v33, v54;
	v33 =	vld [tilespmem:s16+$0xFFFFFFA0];
	s20 =	smul.f32 $7.812500000e-03, s20  }
0x9b: {  	v32 =	vld [tilespmem:s16+$0xFFFFFFB0];
	v56 =	vmul.f32 v20, v20;
	v31 =	vadd.f32 v31, v28;
	v63 =	vadd.f32 v20, v30;
	s8 =	spop (v2sf);
	s17 =	ssub.f32 $1.500000000e+00, s17  }
0x9c: {  	v28 =	vadd.f32 v34, v55;
	v34 =	vld [tilespmem:s2+$0xFFFFFFB0];
	v30 =	vadd.f32 v61, v60;
	s8 =	ssub.f32 s20, s8  }
0x9d: {  	v55 =	vsub.f32 v50, v54;
	v36 =	vadd.f32 v56, v31;
	v60 =	vperm.xlane v63, v0;
	s15 =	smul.f32 s17, s15  }
0x9e: {  	v57 =	vld [tilespmem:s2+$0xFFFFFFC0];
	v61 =	vadd.f32 $0.0e+00, v28;
	v62 =	vmul.f32 v28, v28;
	v58 =	vmul.f32 v30, v30;
	s8 =	sadd.f32 $9.999999960e-13, s8  }
0x9f: {  	v59 =	vld [tilespmem:s16+$0xFFFFFFC0];
	v31 =	vadd.f32 v33, v35;
	v33 =	vadd.f32 v63, v60;
	v35 =	vperm.xlane v36, v0;
	s17 =	smul.f32 s15, s7  }
0xa0: {  	v54 =	vld [tilespmem:s2+$0xFFFFFFD0];
	v63 =	vadd.f32 v30, v61;
	v60 =	vadd.f32 v58, v62;
	s7 =	sshra.s32 s8, $0x1;
	s9 =	smul.f32 $5.000000000e-01, s8  }
0xa1: {  	v61 =	vmul.f32 v31, v31;
	v32 =	vadd.f32 v32, v34;
	v34 =	vld [tilespmem:s2+$0xFFFFFFE0];
	v35 =	vadd.f32 v35, v36;
	s12 =	ssub.s32 $0x5F3759DF, s7  }
0xa2: {  	v21 =	vsub.f32 v21, v25;
	v62 =	vperm.xlane v33, v1;
	v36 =	vld [tilespmem:s16+$0xFFFFFFD0];
	s20 =	smul.f32 s12, s9  }
0xa3: {  	v48 =	vadd.f32 v31, v63;
	v50 =	vadd.f32 v61, v60;
	v60 =	vld [tilespmem:s16+$0xFFFFFFE0];
	v58 =	vperm.xlane v35, v1  }
0xa4: {  	v61 =	vld [tilespmem:s16+$0xFFFFFFF0];
	v25 =	vmul.f32 v32, v32;
	v56 =	vadd.f32 v33, v62;
	v33 =	vadd.f32 v59, v57;
	s20 =	smul.f32 s12, s20  }
0xa5: {  	s17 =	smul.f32 s17, s15;
	v57 =	vld [tilespmem:s2+$0xFFFFFFF0];
	v48 =	vadd.f32 v32, v48;
	v58 =	vadd.f32 v58, v35  }
0xa6: {  	v25 =	vadd.f32 v25, v50;
	v59 =	vperm.xlane v56, v2;
	v62 =	vmul.f32 v33, v33;
	s20 =	ssub.f32 $1.500000000e+00, s20  }
0xa7: {  	s17 =	ssub.f32 $1.500000000e+00, s17;
	v48 =	vadd.f32 v33, v48;
	v35 =	vadd.f32 v36, v54;
	v63 =	vperm.xlane v58, v2  }
0xa8: {  	v36 =	vadd.f32 v60, v34;
	v50 =	vadd.f32 v56, v59;
	s8 =	smul.f32 s12, s20  }
0xa9: {  	s15 =	smul.f32 s17, s15;
	v25 =	vadd.f32 v62, v25;
	v54 =	vadd.f32 v63, v58;
	v63 =	vmul.f32 v35, v35  }
0xaa: {  	v48 =	vadd.f32 v35, v48;
	v34 =	vadd.f32 v61, v57;
	v62 =	vmul.f32 v36, v36;
	s17 =	smul.f32 s8, s9  }
0xab: {  	v21 =	vmul.f32 s15, v21;
	v59 =	vmul.f32 s15, v29;
	v25 =	vadd.f32 v63, v25  }
0xac: {  	v29 =	vperm.xlane v50, v3;
	v57 =	vmul.f32 s15, v27;
	v48 =	vadd.f32 v36, v48;
	s17 =	smul.f32 s17, s8  }
0xad: {  	v61 =	vperm.xlane v54, v3;
	v63 =	vmul.f32 v34, v34;
	v25 =	vadd.f32 v62, v25  }
0xae: {  	v58 =	vmul.f32 s15, v23;
	v29 =	vadd.f32 v50, v29;
	v48 =	vadd.f32 v34, v48;
	s17 =	ssub.f32 $1.500000000e+00, s17  }
0xaf: {  	v21 =	vmul.f32 v21, v11;
	v50 =	vadd.f32 v61, v54;
	v54 =	vadd.f32 v63, v25  }
0xb0: {  	v57 =	vmul.f32 v57, v5;
	v29 =	vmul.f32 $7.812500000e-03, v29;
	s8 =	smul.f32 s17, s8  }
0xb1: {  	v56 =	vadd.f32 v21, v19;
	v60 =	vperm.xlane v48, v0;
	v62 =	vperm.xlane v54, v0  }
0xb2: {  	v58 =	vmul.f32 v58, v6;
	v27 =	vsub.f32 v26, v29;
	v25 =	vsub.f32 v43, v29;
	s7 =	smul.f32 s8, s9  }
0xb3: {  	v4 =	vld [tilespmem:$0x1FFF0];
	v21 =	vmul.f32 v29, v29;
	v61 =	vadd.f32 v48, v60;
	v43 =	vadd.f32 v62, v54  }
0xb4: {  	(v2sf) =	vpush v50, $0x0;
	v26 =	vsub.f32 v42, v29;
	v50 =	vmul.f32 s15, v22;
	s7 =	smul.f32 s7, s8  }
0xb5: {  	v23 =	vsub.f32 v45, v29;
	v63 =	vperm.xlane v61, v1;
	v60 =	vperm.xlane v43, v1  }
0xb6: {  	v48 =	vmul.f32 s15, v37;
	(v2sf) =	vpush v21, $0x0;
	v21 =	vsub.f32 v46, v29;
	s7 =	ssub.f32 $1.500000000e+00, s7  }
0xb7: {  	v46 =	vmul.f32 s15, v39;
	v37 =	vadd.f32 v61, v63;
	v39 =	vadd.f32 v60, v43  }
0xb8: {  	v22 =	vsub.f32 v49, v29;
	v49 =	vmul.f32 s15, v24;
	v61 =	vmul.f32 v59, v4;
	s7 =	smul.f32 s7, s8  }
0xb9: {  	v24 =	vsub.f32 v52, v29;
	v62 =	vperm.xlane v37, v2;
	v43 =	vperm.xlane v39, v2  }
0xba: {  	v63 =	vadd.f32 v57, v13;
	v38 =	vmul.f32 s7, v38;
	v45 =	vmul.f32 s7, v40  }
0xbb: {  	v54 =	vadd.f32 v37, v62;
	v40 =	vmul.f32 s7, v41;
	v52 =	vmul.f32 s7, v44  }
0xbc: {  	[tilespmem:s1+$0x70] =	vst v56;
	v42 =	vadd.f32 v61, v12;
	v41 =	vmul.f32 s7, v47;
	v37 =	vmul.f32 s7, v53  }
0xbd: {  	[tilespmem:s1+$0x10] =	vst v63;
	v53 =	vperm.xlane v54, v3;
	v47 =	vadd.f32 v43, v39;
	v39 =	vmul.f32 s7, v51  }
0xbe: {  	s20 =	simm.s32 $0x3480;
	s17 =	simm.s32 $0x2;
	[tilespmem:s1+$0x0] =	vst v42;
	v42 =	vadd.f32 v58, v14;
	v43 =	vmul.f32 v38, v4;
	v38 =	vmul.f32 s7, v55  }
.LBB2_3:
0xbf: {  	_ = 	snop  }
0xc0: {  	v44 =	vld [tilespmem:s20+$0x20]  }
0xc1: {  	s16 =	sadd.s32 $0x100, s16;
	v29 =	vsub.f32 v20, v29;
	v51 =	vadd.f32 v54, v53;
	v62 =	vperm.xlane v47, v3;
	v54 =	vld [tilespmem:s20+$0x0];
	[tilespmem:s1+$0x20] =	vst v42  }
0xc2: {  	v45 =	vmul.f32 v45, v5;
	v43 =	vadd.f32 v43, v12;
	v58 =	vmul.f32 v39, v10;
	v42 =	vld [tilespmem:s16+$0x0]  }
0xc3: {  	v55 =	vmul.f32 v40, v6;
	v56 =	vld [tilespmem:s20+$0x10];
	v51 =	vmul.f32 $7.812500000e-03, v51;
	v63 =	vadd.f32 v62, v47  }
0xc4: {  	s7 =	spop (v2sf);
	v53 =	vmul.f32 v41, v8;
	v61 =	vld [tilespmem:s16+$0x10];
	v60 =	vadd.f32 v45, v13;
	v58 =	vadd.f32 v58, v18  }
0xc5: {  	v57 =	vmul.f32 v37, v9;
	s7 =	smul.f32 $7.812500000e-03, s7;
	v37 =	vsub.f32 v28, v51;
	v39 =	vsub.f32 v30, v51  }
0xc6: {  	v59 =	vld [tilespmem:s20+$0x40];
	v40 =	vsub.f32 v31, v51;
	v30 =	vmul.f32 v38, v11;
	v38 =	vsub.f32 v32, v51;
	s8 =	spop (v2sf)  }
0xc7: {  	[tilespmem:s1+$0xFFFFFF80] =	vst v43;
	v62 =	vmul.f32 v51, v51;
	v28 =	vld [tilespmem:s16+$0x20];
	v41 =	vsub.f32 v33, v51;
	v43 =	vsub.f32 v35, v51;
	s7 =	ssub.f32 s7, s8  }
0xc8: {  	v31 =	vld [tilespmem:s20+$0x30];
	v32 =	vmul.f32 v50, v7;
	v50 =	vadd.f32 v42, v54;
	(v2sf) =	vpush v63, $0x0  }
0xc9: {  	v33 =	vmul.f32 v48, v8;
	v42 =	vsub.f32 v36, v51;
	v48 =	vadd.f32 v61, v56;
	v63 =	vld [tilespmem:s16+$0x30];
	s7 =	sadd.f32 $9.999999960e-13, s7  }
0xca: {  	v52 =	vmul.f32 v52, v7;
	[tilespmem:s1+$0xFFFFFF90] =	vst v60;
	v36 =	vld [tilespmem:s16+$0x40];
	v60 =	vadd.f32 $0.0e+00, v50;
	(v2sf) =	vpush v62, $0x0  }
0xcb: {  	v56 =	vld [tilespmem:s16+$0x50];
	v54 =	vadd.f32 v55, v14;
	v61 =	vmul.f32 v50, v50;
	v62 =	vmul.f32 v48, v48;
	s12 =	sshra.s32 s7, $0x1;
	s15 =	smul.f32 $5.000000000e-01, s7  }
0xcc: {  	v45 =	vmul.f32 v46, v10;
	v46 =	vadd.f32 v28, v44;
	v28 =	vld [tilespmem:s20+$0x50];
	v35 =	vadd.f32 v48, v60;
	s9 =	ssub.s32 $0x5F3759DF, s12  }
0xcd: {  	v47 =	vmul.f32 v49, v9;
	v44 =	vsub.f32 v34, v51;
	v60 =	vld [tilespmem:s16+$0x60];
	v34 =	vadd.f32 v62, v61;
	s8 =	smul.f32 s9, s15  }
0xce: {  	v55 =	vmul.f32 v46, v46;
	v35 =	vadd.f32 v46, v35;
	v49 =	vadd.f32 v63, v31;
	v31 =	vld [tilespmem:s20+$0x60]  }
0xcf: {  	[tilespmem:s1+$0xFFFFFFA0] =	vst v54;
	v54 =	vadd.f32 v52, v15;
	v51 =	vadd.f32 v36, v59;
	v36 =	vld [tilespmem:s20+$0x70];
	s8 =	smul.f32 s9, s8  }
0xd0: {  	v59 =	vld [tilespmem:s16+$0x70];
	v34 =	vadd.f32 v55, v34;
	v35 =	vadd.f32 v49, v35;
	v55 =	vmul.f32 v49, v49  }
0xd1: {  	v61 =	vld [tilespmem:s16+$0xFFFFFF80];
	[tilespmem:s1+$0xFFFFFFB0] =	vst v54;
	v52 =	vadd.f32 v56, v28;
	v28 =	vadd.f32 v53, v16;
	s8 =	ssub.f32 $1.500000000e+00, s8  }
0xd2: {  	v54 =	vld [tilespmem:s20+$0xFFFFFF80];
	v63 =	vmul.f32 v51, v51;
	v34 =	vadd.f32 v55, v34;
	v35 =	vadd.f32 v51, v35  }
0xd3: {  	v56 =	vld [tilespmem:s20+$0xFFFFFF90];
	[tilespmem:s1+$0xFFFFFFC0] =	vst v28;
	v28 =	vadd.f32 v57, v17;
	v53 =	vadd.f32 v60, v31;
	s7 =	smul.f32 s9, s8  }
0xd4: {  	v31 =	vld [tilespmem:s16+$0xFFFFFF90];
	v60 =	vmul.f32 v52, v52;
	v34 =	vadd.f32 v63, v34;
	v35 =	vadd.f32 v52, v35  }
0xd5: {  	v32 =	vadd.f32 v32, v15;
	v36 =	vadd.f32 v59, v36;
	v57 =	vld [tilespmem:s20+$0xFFFFFFA0];
	[tilespmem:s1+$0xFFFFFFD0] =	vst v28;
	s8 =	smul.f32 s7, s15  }
0xd6: {  	v59 =	vld [tilespmem:s16+$0xFFFFFFA0];
	v55 =	vmul.f32 v53, v53;
	v34 =	vadd.f32 v60, v34;
	v35 =	vadd.f32 v53, v35  }
0xd7: {  	v28 =	vadd.f32 v61, v54;
	v54 =	vld [tilespmem:s20+$0xFFFFFFB0];
	[tilespmem:s1+$0xFFFFFFE0] =	vst v58;
	v58 =	vadd.f32 v30, v19;
	s9 =	spop (v2sf);
	s8 =	smul.f32 s8, s7  }
0xd8: {  	v34 =	vadd.f32 v55, v34;
	v35 =	vadd.f32 v36, v35;
	v55 =	vmul.f32 v36, v36;
	s9 =	smul.f32 $7.812500000e-03, s9  }
0xd9: {  	v33 =	vadd.f32 v33, v16;
	v60 =	vld [tilespmem:s16+$0xFFFFFFB0];
	v30 =	vadd.f32 v31, v56;
	s12 =	spop (v2sf);
	s8 =	ssub.f32 $1.500000000e+00, s8  }
0xda: {  	v61 =	vadd.f32 $0.0e+00, v28;
	v56 =	vld [tilespmem:s20+$0xFFFFFFC0];
	[tilespmem:s1+$0xFFFFFFF0] =	vst v58;
	v34 =	vadd.f32 v55, v34;
	v55 =	vperm.xlane v35, v0;
	s9 =	ssub.f32 s9, s12  }
0xdb: {  	v62 =	vmul.f32 v28, v28;
	v58 =	vld [tilespmem:s16+$0xFFFFFFC0];
	v31 =	vadd.f32 v59, v57;
	v63 =	vmul.f32 v30, v30;
	s7 =	smul.f32 s8, s7  }
0xdc: {  	v61 =	vadd.f32 v30, v61;
	v35 =	vadd.f32 v35, v55;
	s8 =	sadd.f32 $9.999999960e-13, s9  }
0xdd: {  	v55 =	vperm.xlane v34, v0;
	v62 =	vadd.f32 v63, v62;
	v63 =	vmul.f32 v31, v31;
	s9 =	smul.f32 s7, s15  }
0xde: {  	[tilespmem:s1+$0x30] =	vst v32;
	v32 =	vadd.f32 v60, v54;
	v61 =	vadd.f32 v31, v61;
	s12 =	sshra.s32 s8, $0x1;
	s15 =	smul.f32 $5.000000000e-01, s8  }
0xdf: {  	v57 =	vld [tilespmem:s20+$0xFFFFFFD0];
	v60 =	vperm.xlane v35, v1;
	v34 =	vadd.f32 v55, v34;
	v55 =	vadd.f32 v63, v62;
	s8 =	ssub.s32 $0x5F3759DF, s12;
	s9 =	smul.f32 s9, s7  }
0xe0: {  	[tilespmem:s1+$0x40] =	vst v33;
	v20 =	vmov v36;
	v59 =	vld [tilespmem:s16+$0xFFFFFFD0];
	v33 =	vadd.f32 v58, v56;
	v36 =	vadd.f32 v32, v61;
	s12 =	smul.f32 s8, s15  }
0xe1: {  	v4 =	vld [tilespmem:s20+$0xFFFFFFE0];
	v61 =	vmul.f32 v32, v32;
	v35 =	vadd.f32 v35, v60;
	v60 =	vperm.xlane v34, v1  }
0xe2: {  	v56 =	vld [tilespmem:s20+$0xFFFFFFF0];
	s9 =	ssub.f32 $1.500000000e+00, s9;
	s12 =	smul.f32 s8, s12  }
0xe3: {  	v58 =	vld [tilespmem:s16+$0xFFFFFFF0];
	v62 =	vmul.f32 v33, v33;
	v55 =	vadd.f32 v61, v55;
	v34 =	vadd.f32 v60, v34  }
0xe4: {  	v54 =	vld [tilespmem:s16+$0xFFFFFFE0];
	v63 =	vperm.xlane v35, v2;
	s7 =	smul.f32 s9, s7;
	s12 =	ssub.f32 $1.500000000e+00, s12  }
0xe5: {  	v36 =	vadd.f32 v33, v36;
	v55 =	vadd.f32 v62, v55;
	v61 =	vperm.xlane v34, v2  }
0xe6: {  	v29 =	vmul.f32 s7, v29;
	s8 =	smul.f32 s8, s12;
	v60 =	vmul.f32 s7, v27;
	v27 =	vadd.f32 v35, v63  }
0xe7: {  	v35 =	vadd.f32 v59, v57;
	v57 =	vmul.f32 s7, v26;
	v59 =	vadd.f32 v61, v34  }
0xe8: {  	v34 =	vadd.f32 v58, v56;
	v29 =	vmul.f32 v29, v11;
	s9 =	smul.f32 s8, s15;
	v26 =	vperm.xlane v27, v3  }
0xe9: {  	v61 =	vadd.f32 v35, v36;
	v62 =	vmul.f32 v35, v35;
	v36 =	vadd.f32 v54, v4  }
0xea: {  	v29 =	vadd.f32 v29, v19;
	s9 =	smul.f32 s9, s8;
	v4 =	vadd.f32 v27, v26;
	v26 =	vperm.xlane v59, v3  }
0xeb: {  	v27 =	vadd.f32 v62, v55;
	v54 =	vadd.f32 v36, v61;
	v61 =	vmul.f32 v36, v36  }
0xec: {  	[tilespmem:s2+$0x70] =	vst v29;
	s9 =	ssub.f32 $1.500000000e+00, s9;
	v29 =	vmul.f32 $7.812500000e-03, v4;
	v4 =	vadd.f32 v26, v59  }
0xed: {  	v56 =	vmul.f32 v34, v34;
	v26 =	vadd.f32 v61, v27;
	v54 =	vadd.f32 v34, v54  }
0xee: {  	v55 =	vmul.f32 s7, v25;
	s8 =	smul.f32 s9, s8  }
0xef: {  	(v2sf) =	vpush v4, $0x0;
	v4 =	vadd.f32 v56, v26;
	v63 =	vperm.xlane v54, v0  }
0xf0: {  	v47 =	vadd.f32 v47, v17;
	v55 =	vmul.f32 v55, v6;
	v62 =	vmul.f32 v29, v29;
	s9 =	smul.f32 s8, s15  }
0xf1: {  	v27 =	vsub.f32 v50, v29;
	v54 =	vadd.f32 v54, v63;
	v58 =	vperm.xlane v4, v0  }
0xf2: {  	v26 =	vsub.f32 v48, v29;
	v25 =	vsub.f32 v46, v29;
	v50 =	vmul.f32 s7, v23;
	s9 =	smul.f32 s9, s8  }
0xf3: {  	v23 =	vsub.f32 v49, v29;
	v59 =	vperm.xlane v54, v1;
	v4 =	vadd.f32 v58, v4;
	v58 =	vld [tilespmem:$0x1FFF0]  }
0xf4: {  	v52 =	vsub.f32 v52, v29;
	v48 =	vmul.f32 s7, v21;
	v21 =	vsub.f32 v51, v29;
	s9 =	ssub.f32 $1.500000000e+00, s9  }
0xf5: {  	v53 =	vsub.f32 v53, v29;
	v49 =	vmul.f32 s7, v22;
	v51 =	vadd.f32 v54, v59  }
0xf6: {  	v46 =	vmul.f32 s7, v24;
	(v2sf) =	vpush v62, $0x0;
	v22 =	vmovc v52;
	v52 =	vperm.xlane v4, v1;
	s15 =	smul.f32 s9, s8  }
0xf7: {  	s17 =	sadd.s32 $0x2, s17;
	v24 =	vmovc v53;
	v53 =	vmul.f32 v57, v5;
	v62 =	vadd.f32 v45, v18;
	v63 =	vperm.xlane v51, v2  }
0xf8: {  	p1 =	slt.u32 s17, $0x7E;
	v4 =	vadd.f32 v52, v4;
	v61 =	vmul.f32 v60, v58;
	v60 =	vmul.f32 s15, v37  }
.Ltmp0:
0xf9: {  	v45 =	vmul.f32 s15, v39;
	v40 =	vmul.f32 s15, v40;
	v54 =	vadd.f32 v51, v63;
	(pc) =	sbr.rel @p1 .LBB2_3-.Ltmp0, $4  }
0xfa: {  	[tilespmem:s1+$0x60] =	vst v62;
	v62 =	vperm.xlane v4, v2;
	v52 =	vmul.f32 s15, v38;
	v63 =	vadd.f32 v53, v13  }
0xfb: {  	[tilespmem:s1+$0x50] =	vst v47;
	s1 =	smov.u32 s2;
	v41 =	vmul.f32 s15, v41;
	v37 =	vmul.f32 s15, v43;
	v61 =	vadd.f32 v61, v12  }
0xfc: {  	v39 =	vmul.f32 s15, v42;
	v38 =	vmul.f32 s15, v44;
	v42 =	vadd.f32 v55, v14;
	[tilespmem:s1+$0x10] =	vst v63  }
0xfd: {  	s2 =	smov.u32 s20;
	s20 =	sadd.s32 $0x100, s20;
	v53 =	vperm.xlane v54, v3;
	v47 =	vadd.f32 v62, v4;
	v43 =	vmul.f32 v60, v58;
	[tilespmem:s1+$0x0] =	vst v61  }
0xfe: {  	_ = 	snop  }
0xff: {  	v4 =	vadd.f32 v54, v53;
	v44 =	vperm.xlane v47, v3;
	_ =	sdelay $0x1  }
0x100: {  	v4 =	vmul.f32 $7.812500000e-03, v4;
	v44 =	vadd.f32 v44, v47;
	_ =	sdelay $0x1  }
0x101: {  	v58 =	vmul.f32 v4, v4;
	(v2sf) =	vpush v44, $0x0;
	_ =	sdelay $0x1  }
0x102: {  	(v2sf) =	vpush v58, $0x0;
	_ =	sdelay $0x5  }
0x103: {  	s7 =	spop (v2sf)  }
0x104: {  	s7 =	smul.f32 $7.812500000e-03, s7  }
0x105: {  	s8 =	spop (v2sf)  }
0x106: {  	s7 =	ssub.f32 s7, s8;
	_ =	sdelay $0x1  }
0x107: {  	s7 =	sadd.f32 $9.999999960e-13, s7;
	_ =	sdelay $0x1  }
0x108: {  	s16 =	sshra.s32 s7, $0x1;
	s7 =	smul.f32 $5.000000000e-01, s7;
	s9 =	spop (v2sf)  }
0x109: {  	s8 =	ssub.s32 $0x5F3759DF, s16;
	s9 =	smul.f32 $7.812500000e-03, s9  }
0x10a: {  	s12 =	smul.f32 s8, s7;
	s15 =	spop (v2sf)  }
0x10b: {  	s9 =	ssub.f32 s9, s15  }
0x10c: {  	s12 =	smul.f32 s8, s12  }
0x10d: {  	s9 =	sadd.f32 $9.999999960e-13, s9  }
0x10e: {  	s12 =	ssub.f32 $1.500000000e+00, s12  }
0x10f: {  	s17 =	sshra.s32 s9, $0x1;
	s9 =	smul.f32 $5.000000000e-01, s9  }
0x110: {  	s8 =	smul.f32 s8, s12;
	s20 =	ssub.s32 $0x5F3759DF, s17  }
0x111: {  	s15 =	smul.f32 s20, s9  }
0x112: {  	s16 =	smul.f32 s8, s7  }
0x113: {  	s15 =	smul.f32 s20, s15  }
0x114: {  	s16 =	smul.f32 s16, s8  }
0x115: {  	s15 =	ssub.f32 $1.500000000e+00, s15  }
0x116: {  	v40 =	vmul.f32 v40, v6;
	s16 =	ssub.f32 $1.500000000e+00, s16  }
0x117: {  	v60 =	vmul.f32 v52, v7;
	v43 =	vadd.f32 v43, v12;
	s12 =	smul.f32 s20, s15  }
0x118: {  	[tilespmem:s1+$0x20] =	vst v42;
	v41 =	vmul.f32 v41, v8;
	v40 =	vadd.f32 v40, v14;
	s8 =	smul.f32 s16, s8  }
0x119: {  	v37 =	vmul.f32 v37, v9;
	v61 =	vadd.f32 v60, v15;
	[tilespmem:s1+$0xFFFFFF80] =	vst v43;
	s15 =	smul.f32 s12, s9  }
0x11a: {  	v39 =	vmul.f32 v39, v10;
	v62 =	vadd.f32 v41, v16;
	[tilespmem:s1+$0xFFFFFFA0] =	vst v40;
	s7 =	smul.f32 s8, s7  }
0x11b: {  	v20 =	vsub.f32 v20, v29;
	v29 =	vmul.f32 v50, v7;
	v37 =	vadd.f32 v37, v17;
	[tilespmem:s1+$0xFFFFFFB0] =	vst v61;
	s15 =	smul.f32 s15, s12  }
0x11c: {  	v59 =	vmul.f32 v45, v5;
	v39 =	vadd.f32 v39, v18;
	[tilespmem:s1+$0xFFFFFFC0] =	vst v62;
	s7 =	smul.f32 s7, s8  }
0x11d: {  	v63 =	vmul.f32 v48, v8;
	v29 =	vadd.f32 v29, v15;
	[tilespmem:s1+$0xFFFFFFD0] =	vst v37;
	s15 =	ssub.f32 $1.500000000e+00, s15  }
0x11e: {  	v38 =	vmul.f32 v38, v11;
	[tilespmem:s1+$0xFFFFFFE0] =	vst v39;
	v44 =	vadd.f32 v59, v13;
	s7 =	ssub.f32 $1.500000000e+00, s7  }
0x11f: {  	v47 =	vadd.f32 v63, v16;
	[tilespmem:s1+$0x30] =	vst v29;
	s12 =	smul.f32 s15, s12  }
0x120: {  	[tilespmem:s1+$0xFFFFFF90] =	vst v44;
	v44 =	vadd.f32 v38, v19;
	s7 =	smul.f32 s7, s8  }
0x121: {  	v45 =	vmul.f32 v49, v9;
	[tilespmem:s1+$0x40] =	vst v47;
	s17 =	smul.f32 s12, s9  }
0x122: {  	[tilespmem:s1+$0xFFFFFFF0] =	vst v44  }
0x123: {  	v29 =	vadd.f32 v45, v17;
	v61 =	vld [tilespmem:$0x1FFF0];
	v20 =	vmul.f32 s7, v20;
	s8 =	smul.f32 s17, s12  }
0x124: {  	v46 =	vmul.f32 v46, v10;
	v28 =	vsub.f32 v28, v4;
	v30 =	vsub.f32 v30, v4  }
0x125: {  	v31 =	vsub.f32 v31, v4;
	v32 =	vsub.f32 v32, v4;
	v20 =	vmul.f32 v20, v11;
	s8 =	ssub.f32 $1.500000000e+00, s8  }
0x126: {  	v33 =	vsub.f32 v33, v4;
	v35 =	vsub.f32 v35, v4;
	v27 =	vmul.f32 s7, v27  }
0x127: {  	v36 =	vsub.f32 v36, v4;
	v26 =	vmul.f32 s7, v26;
	v20 =	vadd.f32 v20, v19;
	s8 =	smul.f32 s8, s12  }
0x128: {  	v4 =	vsub.f32 v34, v4;
	v25 =	vmul.f32 s7, v25;
	v27 =	vmul.f32 v27, v61  }
0x129: {  	[tilespmem:s2+$0x70] =	vst v20;
	v20 =	vmul.f32 v26, v5;
	v26 =	vadd.f32 v46, v18;
	v28 =	vmul.f32 s8, v28  }
0x12a: {  	[tilespmem:s1+$0x50] =	vst v29;
	v25 =	vmul.f32 v25, v6;
	v27 =	vadd.f32 v27, v12;
	v29 =	vmul.f32 s8, v30  }
0x12b: {  	[tilespmem:s1+$0x60] =	vst v26;
	v20 =	vadd.f32 v20, v13;
	v30 =	vmul.f32 s8, v31;
	v26 =	vmul.f32 v28, v61  }
0x12c: {  	v25 =	vadd.f32 v25, v14;
	[tilespmem:s2+$0x0] =	vst v27;
	v4 =	vmul.f32 s8, v4;
	v27 =	vmul.f32 v29, v5  }
0x12d: {  	[tilespmem:s2+$0x10] =	vst v20;
	v29 =	vmul.f32 s8, v33;
	v20 =	vadd.f32 v26, v12;
	v26 =	vmul.f32 v30, v6  }
0x12e: {  	[tilespmem:s2+$0x20] =	vst v25;
	v28 =	vmul.f32 s8, v32;
	v4 =	vmul.f32 v4, v11;
	v25 =	vadd.f32 v27, v13  }
0x12f: {  	v27 =	vmul.f32 s8, v36;
	v29 =	vmul.f32 v29, v8;
	[tilespmem:s2+$0xFFFFFF80] =	vst v20;
	v20 =	vadd.f32 v26, v14  }
0x130: {  	v21 =	vmul.f32 s7, v21;
	v28 =	vmul.f32 v28, v7;
	v4 =	vadd.f32 v4, v19;
	[tilespmem:s2+$0xFFFFFF90] =	vst v25  }
0x131: {  	v23 =	vmul.f32 s7, v23;
	v27 =	vmul.f32 v27, v10;
	[tilespmem:s2+$0xFFFFFFA0] =	vst v20;
	v20 =	vadd.f32 v29, v16  }
0x132: {  	v21 =	vmul.f32 v21, v8;
	v30 =	vmul.f32 s8, v35;
	v25 =	vadd.f32 v28, v15;
	[tilespmem:s2+$0xFFFFFFF0] =	vst v4  }
0x133: {  	v22 =	vmul.f32 s7, v22;
	v23 =	vmul.f32 v23, v7;
	[tilespmem:s2+$0xFFFFFFC0] =	vst v20;
	v20 =	vadd.f32 v27, v18  }
0x134: {  	v24 =	vmul.f32 s7, v24;
	v26 =	vmul.f32 v30, v9;
	v4 =	vadd.f32 v21, v16;
	[tilespmem:s2+$0xFFFFFFB0] =	vst v25  }
0x135: {  	v22 =	vmul.f32 v22, v9;
	[tilespmem:s2+$0xFFFFFFE0] =	vst v20;
	v20 =	vadd.f32 v23, v15  }
0x136: {  	v25 =	vadd.f32 v26, v17;
	[tilespmem:s2+$0x40] =	vst v4;
	v23 =	vmul.f32 v24, v10  }
0x137: {  	s20 =	sshll.u32 s31, $0xF;
	[tilespmem:s2+$0x30] =	vst v20;
	v20 =	vadd.f32 v22, v17  }
0x138: {  	s1 =	sadd.s32 s10, s20;
	[tilespmem:s2+$0xFFFFFFD0] =	vst v25;
	v4 =	vadd.f32 v23, v18  }
0x139: {  	s1 =	sshrl.u32 s1, $0x3;
	[tilespmem:s2+$0x50] =	vst v20  }
0x13a: {  	p1 =	seq.s32 s31, $0x18;
	s1 =	sadd.s32 s3, s1;
	[tilespmem:s2+$0x60] =	vst v4  }
0x13b: {  	[hbm4b:s1+s6] =	stream.linear.scatter [tilespmem:s19], [sflag:$0x5], $0x4000, $0x38;
	[tilespmem:$0x13F80] =	vst v63  }
0x13c: {  	s1 =	simm.s32 @!p1 $0x5  }
0x13d: {  	_ =	swait.ge @!p1 [sflag:s1], $0x4000  }
0x13e: {  	s7 =	simm.s32 @!p1 $0x3200;
	[sflag:s1] =	ssyncset.done @!p1 $0x0  }
0x13f: {  	s2 =	sadd.s32 @!p1 $0x100, s4;
	[sflag:s1] =	ssyncadd.s32 @!p1 $0xFFFFC000;
	s1 =	simm.s32 @!p1 $0x80  }
0x140: {  	[tilespmem:s7], [sflag:$0x1] =	stream.indirect.gather @!p1 [hbm4b:s0+s1], $0x80, s2, s1, $0xb8;
	[tilespmem:$0x13F80] =	vst v63  }
0x141: {  	s2 =	sadd.s32 @!p1 $0x1A00, s4;
	s7 =	simm.s32 @!p1 $0xB200  }
0x142: {  	[tilespmem:s7], [sflag:$0x2] =	stream.indirect.gather @!p1 [spmem:s5], $0x80, s2, s1, $0xb8;
	[tilespmem:$0x13F80] =	vst v63  }
0x143: {  	_ =	swait.ge [sflag:s24], $0x4000  }
0x144: {  	[sflag:s24] =	ssyncset.done $0x0  }
0x145: {  	[sflag:s24] =	ssyncadd.s32 $0xFFFFC000  }
0x146: {  	_ =	swait.ge [sflag:s25], $0x4000  }
0x147: {  	[sflag:s25] =	ssyncset.done $0x0  }
0x148: {  	s1 =	simm.s32 $0x7280;
	[sflag:s25] =	ssyncadd.s32 $0xFFFFC000  }
0x149: {  	v4 =	vld [tilespmem:s1+$0x20]  }
0x14a: {  	s7 =	simm.s32 $0xF280;
	v20 =	vld [tilespmem:s1+$0x0]  }
0x14b: {  	v21 =	vld [tilespmem:s7+$0x0]  }
0x14c: {  	v22 =	vld [tilespmem:s1+$0x10]  }
0x14d: {  	v23 =	vld [tilespmem:s7+$0x10]  }
0x14e: {  	v24 =	vld [tilespmem:s7+$0x20]  }
0x14f: {  	v25 =	vld [tilespmem:s1+$0x30]  }
0x150: {  	v20 =	vadd.f32 v21, v20;
	v21 =	vld [tilespmem:s7+$0x30]  }
0x151: {  	v26 =	vld [tilespmem:s1+$0x40]  }
0x152: {  	v28 =	vld [tilespmem:s7+$0x40];
	v23 =	vadd.f32 v23, v22;
	v27 =	vadd.f32 $0.0e+00, v20  }
0x153: {  	v31 =	vld [tilespmem:s7+$0x50];
	v22 =	vadd.f32 v24, v4  }
0x154: {  	v4 =	vld [tilespmem:s1+$0x50];
	v29 =	vmul.f32 v20, v20;
	v30 =	vmul.f32 v23, v23;
	v27 =	vadd.f32 v23, v27  }
0x155: {  	v24 =	vadd.f32 v21, v25;
	v21 =	vld [tilespmem:s1+$0x60]  }
0x156: {  	v25 =	vadd.f32 v30, v29;
	v29 =	vmul.f32 v22, v22;
	v30 =	vld [tilespmem:s7+$0x60];
	v27 =	vadd.f32 v22, v27  }
0x157: {  	v48 =	vld [tilespmem:s7+$0x70];
	v28 =	vadd.f32 v28, v26  }
0x158: {  	v26 =	vld [tilespmem:s1+$0x70];
	v25 =	vadd.f32 v29, v25;
	v29 =	vmul.f32 v24, v24;
	v27 =	vadd.f32 v24, v27  }
0x159: {  	v4 =	vadd.f32 v31, v4  }
0x15a: {  	v25 =	vadd.f32 v29, v25;
	v29 =	vmul.f32 v28, v28;
	v27 =	vadd.f32 v28, v27  }
0x15b: {  	v49 =	vld [tilespmem:s1+$0xFFFFFF80];
	v30 =	vadd.f32 v30, v21  }
0x15c: {  	v50 =	vld [tilespmem:s1+$0xFFFFFF90];
	v25 =	vadd.f32 v29, v25;
	v29 =	vmul.f32 v4, v4;
	v27 =	vadd.f32 v4, v27  }
0x15d: {  	v51 =	vld [tilespmem:s1+$0xFFFFFFA0];
	v21 =	vadd.f32 v48, v26  }
0x15e: {  	v31 =	vld [tilespmem:s7+$0xFFFFFF80];
	v25 =	vadd.f32 v29, v25;
	v29 =	vmul.f32 v30, v30;
	v27 =	vadd.f32 v30, v27  }
0x15f: {  	v26 =	vld [tilespmem:s7+$0xFFFFFF90]  }
0x160: {  	v52 =	vld [tilespmem:s7+$0xFFFFFFA0];
	v25 =	vadd.f32 v29, v25;
	v29 =	vmul.f32 v21, v21;
	v27 =	vadd.f32 v21, v27  }
0x161: {  	v53 =	vld [tilespmem:s1+$0xFFFFFFB0]  }
0x162: {  	v54 =	vld [tilespmem:s7+$0xFFFFFFB0];
	v25 =	vadd.f32 v29, v25;
	v29 =	vperm.xlane v27, v0  }
0x163: {  	v31 =	vadd.f32 v31, v49  }
0x164: {  	v57 =	vld [tilespmem:s7+$0xFFFFFFC0];
	v34 =	vadd.f32 v26, v50;
	v27 =	vadd.f32 v27, v29;
	v29 =	vperm.xlane v25, v0  }
0x165: {  	v59 =	vld [tilespmem:s1+$0xFFFFFFD0];
	v32 =	vadd.f32 v52, v51;
	v55 =	vadd.f32 $0.0e+00, v31;
	v56 =	vmul.f32 v31, v31  }
0x166: {  	v26 =	vld [tilespmem:s1+$0xFFFFFFC0];
	v58 =	vmul.f32 v34, v34;
	v60 =	vperm.xlane v27, v1;
	v25 =	vadd.f32 v29, v25  }
0x167: {  	v63 =	vld [tilespmem:s1+$0xFFFFFFE0];
	v33 =	vadd.f32 v54, v53;
	v62 =	vmul.f32 v32, v32;
	v37 =	vadd.f32 v34, v55  }
0x168: {  	v38 =	vadd.f32 v58, v56;
	v29 =	vld [tilespmem:s7+$0xFFFFFFD0];
	v27 =	vadd.f32 v27, v60;
	v48 =	vperm.xlane v25, v1  }
0x169: {  	v49 =	vld [tilespmem:s7+$0xFFFFFFE0];
	v50 =	vmul.f32 v33, v33;
	v37 =	vadd.f32 v32, v37  }
0x16a: {  	v52 =	vld [tilespmem:s7+$0xFFFFFFF0];
	v38 =	vadd.f32 v62, v38;
	v51 =	vperm.xlane v27, v2;
	v25 =	vadd.f32 v48, v25  }
0x16b: {  	v47 =	vadd.f32 v57, v26;
	v26 =	vld [tilespmem:s1+$0xFFFFFFF0];
	v37 =	vadd.f32 v33, v37  }
0x16c: {  	v38 =	vadd.f32 v50, v38;
	v27 =	vadd.f32 v27, v51;
	v54 =	vperm.xlane v25, v2  }
0x16d: {  	v53 =	vmul.f32 v47, v47;
	v37 =	vadd.f32 v47, v37;
	v35 =	vadd.f32 v29, v59  }
0x16e: {  	v48 =	vadd.f32 v49, v63;
	v55 =	vperm.xlane v27, v3;
	v39 =	vadd.f32 v54, v25  }
0x16f: {  	v29 =	vadd.f32 v53, v38;
	v56 =	vmul.f32 v35, v35;
	v25 =	vadd.f32 v35, v37  }
0x170: {  	v36 =	vadd.f32 v52, v26;
	v26 =	vadd.f32 v27, v55;
	v27 =	vperm.xlane v39, v3  }
0x171: {  	v58 =	vmul.f32 v48, v48;
	v29 =	vadd.f32 v56, v29;
	v57 =	vadd.f32 v48, v25  }
0x172: {  	v25 =	vmul.f32 $7.812500000e-03, v26;
	v26 =	vadd.f32 v27, v39  }
0x173: {  	v29 =	vadd.f32 v58, v29;
	v27 =	vmul.f32 v36, v36;
	v37 =	vadd.f32 v36, v57  }
0x174: {  	v59 =	vmul.f32 v25, v25;
	(v2sf) =	vpush v26, $0x0  }
0x175: {  	v26 =	vadd.f32 v27, v29;
	v27 =	vperm.xlane v37, v0  }
0x176: {  	(v2sf) =	vpush v59, $0x0  }
0x177: {  	v27 =	vadd.f32 v37, v27;
	v29 =	vperm.xlane v26, v0;
	_ =	sdelay $0x1  }
0x178: {  	v37 =	vperm.xlane v27, v1;
	v26 =	vadd.f32 v29, v26;
	_ =	sdelay $0x1  }
0x179: {  	v27 =	vadd.f32 v27, v37;
	v29 =	vperm.xlane v26, v1;
	_ =	sdelay $0x1  }
0x17a: {  	s2 =	simm.s32 $0x7380;
	v37 =	vperm.xlane v27, v2;
	v26 =	vadd.f32 v29, v26  }
0x17b: {  	s16 =	simm.s32 $0xF380;
	v52 =	vld [tilespmem:s2+$0x10]  }
0x17c: {  	v53 =	vld [tilespmem:s16+$0x10];
	v27 =	vadd.f32 v27, v37;
	v29 =	vperm.xlane v26, v2;
	_ =	sdelay $0x1  }
0x17d: {  	v37 =	vperm.xlane v27, v3;
	v26 =	vadd.f32 v29, v26  }
0x17e: {  	v62 =	vld [tilespmem:s2+$0x0]  }
0x17f: {  	v63 =	vld [tilespmem:s16+$0x0];
	v27 =	vadd.f32 v27, v37;
	v29 =	vperm.xlane v26, v3;
	s8 =	spop (v2sf)  }
0x180: {  	v60 =	vld [tilespmem:s2+$0x20];
	v42 =	vadd.f32 v53, v52;
	s7 =	smul.f32 $7.812500000e-03, s8  }
0x181: {  	v56 =	vld [tilespmem:s16+$0x30];
	v39 =	vsub.f32 v30, v25;
	v50 =	vmul.f32 $7.812500000e-03, v27;
	v26 =	vadd.f32 v29, v26;
	s9 =	spop (v2sf)  }
0x182: {  	v55 =	vld [tilespmem:s2+$0x30];
	v37 =	vsub.f32 v28, v25;
	v29 =	vsub.f32 v20, v25;
	s7 =	ssub.f32 s7, s9  }
0x183: {  	v27 =	vsub.f32 v23, v25;
	v20 =	vld [tilespmem:s16+$0x20];
	v54 =	vmul.f32 v50, v50;
	(v2sf) =	vpush v26, $0x0  }
0x184: {  	v51 =	vld [tilespmem:s16+$0x60];
	v23 =	vsub.f32 v22, v25;
	v26 =	vadd.f32 v63, v62;
	s7 =	sadd.f32 $9.999999960e-13, s7  }
0x185: {  	v57 =	vld [tilespmem:s16+$0x40];
	v22 =	vsub.f32 v24, v25;
	(v2sf) =	vpush v54, $0x0  }
0x186: {  	v24 =	vsub.f32 v4, v25;
	v4 =	vld [tilespmem:s2+$0x40];
	v28 =	vadd.f32 $0.0e+00, v26;
	s12 =	sshra.s32 s7, $0x1;
	s7 =	smul.f32 $5.000000000e-01, s7  }
0x187: {  	v58 =	vld [tilespmem:s16+$0x50];
	v40 =	vmul.f32 v42, v42;
	v21 =	vsub.f32 v21, v25;
	v45 =	vadd.f32 v56, v55;
	s8 =	ssub.s32 $0x5F3759DF, s12  }
0x188: {  	v30 =	vmul.f32 v26, v26;
	v43 =	vadd.f32 v20, v60;
	v20 =	vld [tilespmem:s2+$0x50];
	v28 =	vadd.f32 v42, v28;
	s15 =	smul.f32 s8, s7  }
0x189: {  	v38 =	vsub.f32 v31, v50;
	v31 =	vld [tilespmem:s2+$0x60];
	v41 =	vsub.f32 v32, v50  }
0x18a: {  	v62 =	vld [tilespmem:s16+$0x70];
	v30 =	vadd.f32 v40, v30;
	v59 =	vmul.f32 v43, v43;
	v28 =	vadd.f32 v43, v28;
	s9 =	smul.f32 s8, s15  }
0x18b: {  	v63 =	vld [tilespmem:s16+$0xFFFFFF80];
	v44 =	vsub.f32 v33, v50;
	v46 =	vadd.f32 v57, v4  }
0x18c: {  	v4 =	vld [tilespmem:s2+$0x70];
	v60 =	vmul.f32 v45, v45;
	v30 =	vadd.f32 v59, v30;
	v28 =	vadd.f32 v45, v28;
	s9 =	ssub.f32 $1.500000000e+00, s9  }
0x18d: {  	v47 =	vsub.f32 v47, v50;
	v32 =	vld [tilespmem:s2+$0xFFFFFFB0];
	v49 =	vadd.f32 v58, v20  }
0x18e: {  	v57 =	vld [tilespmem:s2+$0xFFFFFF80];
	v20 =	vadd.f32 v60, v30;
	v30 =	vmul.f32 v46, v46;
	v28 =	vadd.f32 v46, v28;
	s8 =	smul.f32 s8, s9  }
0x18f: {  	v53 =	vsub.f32 v35, v50;
	v52 =	vadd.f32 v51, v31;
	v31 =	vld [tilespmem:s16+$0xFFFFFF90]  }
0x190: {  	v58 =	vld [tilespmem:s2+$0xFFFFFF90];
	v59 =	vmul.f32 v49, v49;
	v30 =	vadd.f32 v30, v20;
	v28 =	vadd.f32 v49, v28;
	s9 =	smul.f32 s8, s7  }
0x191: {  	v56 =	vsub.f32 v36, v50;
	v33 =	vld [tilespmem:s16+$0xFFFFFFB0];
	v20 =	vadd.f32 v62, v4  }
0x192: {  	v35 =	vld [tilespmem:s16+$0xFFFFFFA0];
	v60 =	vmul.f32 v52, v52;
	v30 =	vadd.f32 v59, v30;
	v28 =	vadd.f32 v52, v28;
	s17 =	spop (v2sf);
	s9 =	smul.f32 s9, s8  }
0x193: {  	v40 =	vsub.f32 v34, v50;
	v51 =	vsub.f32 v48, v50;
	v4 =	vld [tilespmem:s2+$0xFFFFFFA0];
	s12 =	smul.f32 $7.812500000e-03, s17  }
0x194: {  	v55 =	vmul.f32 v20, v20;
	v34 =	vadd.f32 v60, v30;
	v62 =	vadd.f32 v20, v28;
	s20 =	spop (v2sf);
	s9 =	ssub.f32 $1.500000000e+00, s9  }
0x195: {  	v30 =	vadd.f32 v31, v58;
	v58 =	vld [tilespmem:s16+$0xFFFFFFC0];
	v28 =	vadd.f32 v63, v57;
	s12 =	ssub.f32 s12, s20  }
0x196: {  	v32 =	vadd.f32 v33, v32;
	v34 =	vadd.f32 v55, v34;
	v55 =	vld [tilespmem:s2+$0xFFFFFFC0];
	v63 =	vperm.xlane v62, v0;
	s8 =	smul.f32 s9, s8  }
0x197: {  	v57 =	vmul.f32 v30, v30;
	v60 =	vadd.f32 $0.0e+00, v28;
	v54 =	vmul.f32 v28, v28;
	s15 =	sadd.f32 $9.999999960e-13, s12  }
0x198: {  	v31 =	vadd.f32 v35, v4;
	v35 =	vperm.xlane v34, v0;
	v4 =	vadd.f32 v62, v63;
	s17 =	smul.f32 s8, s7  }
0x199: {  	v50 =	vld [tilespmem:s2+$0xFFFFFFD0];
	v36 =	vadd.f32 v30, v60;
	v62 =	vadd.f32 v57, v54;
	s20 =	sshra.s32 s15, $0x1;
	s7 =	smul.f32 $5.000000000e-01, s15  }
0x19a: {  	v63 =	vmul.f32 v31, v31;
	v34 =	vadd.f32 v35, v34;
	v35 =	vld [tilespmem:s16+$0xFFFFFFD0];
	v60 =	vperm.xlane v4, v1;
	s9 =	ssub.s32 $0x5F3759DF, s20  }
0x19b: {  	v25 =	vmul.f32 v32, v32;
	v59 =	vld [tilespmem:s2+$0xFFFFFFE0];
	v36 =	vadd.f32 v31, v36;
	v33 =	vadd.f32 v58, v55;
	s15 =	smul.f32 s9, s7  }
0x19c: {  	v57 =	vld [tilespmem:s16+$0xFFFFFFE0];
	v48 =	vadd.f32 v63, v62;
	v62 =	vperm.xlane v34, v1;
	s12 =	smul.f32 s17, s8;
	v4 =	vadd.f32 v4, v60  }
0x19d: {  	v54 =	vld [tilespmem:s16+$0xFFFFFFF0];
	v36 =	vadd.f32 v32, v36;
	v60 =	vmul.f32 v33, v33;
	s17 =	smul.f32 s9, s15  }
0x19e: {  	v55 =	vld [tilespmem:s2+$0xFFFFFFF0];
	v25 =	vadd.f32 v25, v48;
	v34 =	vadd.f32 v62, v34;
	s12 =	ssub.f32 $1.500000000e+00, s12;
	v58 =	vperm.xlane v4, v2  }
0x19f: {  	v36 =	vadd.f32 v33, v36;
	v35 =	vadd.f32 v35, v50;
	s20 =	ssub.f32 $1.500000000e+00, s17  }
0x1a0: {  	v25 =	vadd.f32 v60, v25;
	v63 =	vperm.xlane v34, v2;
	s12 =	smul.f32 s12, s8;
	v4 =	vadd.f32 v4, v58  }
0x1a1: {  	v50 =	vadd.f32 v35, v36;
	v60 =	vmul.f32 v35, v35;
	v36 =	vadd.f32 v57, v59;
	s8 =	smul.f32 s9, s20  }
0x1a2: {  	v48 =	vadd.f32 v63, v34;
	v58 =	vmul.f32 s12, v29;
	v29 =	vperm.xlane v4, v3  }
0x1a3: {  	v34 =	vadd.f32 v54, v55;
	v25 =	vadd.f32 v60, v25;
	s9 =	smul.f32 s8, s7  }
0x1a4: {  	v63 =	vmul.f32 v36, v36;
	v62 =	vperm.xlane v48, v3;
	v4 =	vadd.f32 v4, v29  }
0x1a5: {  	v21 =	vmul.f32 s12, v21;
	v50 =	vadd.f32 v36, v50;
	v59 =	vmul.f32 v34, v34;
	s9 =	smul.f32 s9, s8  }
0x1a6: {  	v25 =	vadd.f32 v63, v25;
	v29 =	vmul.f32 $7.812500000e-03, v4;
	v4 =	vadd.f32 v62, v48  }
0x1a7: {  	v50 =	vadd.f32 v34, v50;
	s9 =	ssub.f32 $1.500000000e+00, s9  }
0x1a8: {  	v21 =	vmul.f32 v21, v11;
	(v2sf) =	vpush v4, $0x0;
	v4 =	vadd.f32 v59, v25  }
0x1a9: {  	v57 =	vmul.f32 s12, v27;
	v54 =	vmul.f32 s12, v23;
	s8 =	smul.f32 s9, s8  }
0x1aa: {  	v55 =	vadd.f32 v21, v19;
	v60 =	vperm.xlane v50, v0;
	v63 =	vperm.xlane v4, v0  }
0x1ab: {  	v48 =	vmul.f32 s12, v37;
	v27 =	vsub.f32 v26, v29;
	v26 =	vsub.f32 v42, v29;
	s7 =	smul.f32 s8, s7  }
0x1ac: {  	v21 =	vmul.f32 v29, v29;
	v62 =	vadd.f32 v50, v60;
	v4 =	vadd.f32 v63, v4  }
0x1ad: {  	v50 =	vmul.f32 s12, v22;
	v22 =	vsub.f32 v49, v29;
	v49 =	vmul.f32 s12, v24;
	s7 =	smul.f32 s7, s8  }
0x1ae: {  	v23 =	vsub.f32 v45, v29;
	v59 =	vperm.xlane v62, v1;
	v60 =	vperm.xlane v4, v1  }
0x1af: {  	(v2sf) =	vpush v21, $0x0;
	v21 =	vsub.f32 v46, v29;
	v46 =	vmul.f32 s12, v39;
	s7 =	ssub.f32 $1.500000000e+00, s7  }
0x1b0: {  	v37 =	vadd.f32 v62, v59;
	v62 =	vmul.f32 v58, v61;
	v4 =	vadd.f32 v60, v4  }
0x1b1: {  	v24 =	vsub.f32 v52, v29;
	v63 =	vmul.f32 v57, v5;
	v57 =	vmul.f32 v54, v6;
	s7 =	smul.f32 s7, s8  }
0x1b2: {  	v59 =	vperm.xlane v37, v2;
	v60 =	vadd.f32 v62, v12;
	v62 =	vperm.xlane v4, v2  }
0x1b3: {  	v63 =	vadd.f32 v63, v13;
	v38 =	vmul.f32 s7, v38;
	v45 =	vmul.f32 s7, v40  }
0x1b4: {  	v54 =	vadd.f32 v37, v59;
	v40 =	vmul.f32 s7, v41;
	v52 =	vmul.f32 s7, v44  }
0x1b5: {  	v25 =	vsub.f32 v43, v29;
	[tilespmem:s1+$0x70] =	vst v55;
	v41 =	vmul.f32 s7, v47;
	v37 =	vmul.f32 s7, v53  }
0x1b6: {  	v42 =	vadd.f32 v57, v14;
	[tilespmem:s1+$0x10] =	vst v63;
	v53 =	vperm.xlane v54, v3;
	v39 =	vmul.f32 s7, v51  }
0x1b7: {  	s17 =	simm.s32 $0x2;
	s20 =	simm.s32 $0x7480;
	[tilespmem:s1+$0x0] =	vst v60;
	v47 =	vadd.f32 v62, v4;
	v43 =	vmul.f32 v38, v61;
	v38 =	vmul.f32 s7, v56  }
.LBB2_5:
0x1b8: {  	_ =	sdelay $0x1  }
0x1b9: {  	v4 =	vld [tilespmem:s20+$0x20];
	v44 =	vadd.f32 v54, v53  }
0x1ba: {  	s16 =	sadd.s32 $0x100, s16;
	v29 =	vsub.f32 v20, v29;
	v51 =	vperm.xlane v47, v3;
	v45 =	vmul.f32 v45, v5;
	v53 =	vld [tilespmem:s20+$0x0];
	[tilespmem:s1+$0x20] =	vst v42  }
0x1bb: {  	v43 =	vadd.f32 v43, v12;
	v54 =	vmul.f32 v40, v6;
	v42 =	vld [tilespmem:s16+$0x0];
	v44 =	vmul.f32 $7.812500000e-03, v44  }
0x1bc: {  	s7 =	spop (v2sf);
	v52 =	vmul.f32 v52, v7;
	v55 =	vmul.f32 v41, v8;
	v61 =	vld [tilespmem:s16+$0x10];
	v63 =	vadd.f32 v51, v47  }
0x1bd: {  	v56 =	vmul.f32 v37, v9;
	s7 =	smul.f32 $7.812500000e-03, s7;
	v51 =	vld [tilespmem:s20+$0x10];
	v60 =	vadd.f32 v45, v13;
	v37 =	vsub.f32 v28, v44  }
0x1be: {  	v57 =	vmul.f32 v39, v10;
	v39 =	vsub.f32 v30, v44;
	v40 =	vsub.f32 v31, v44;
	s8 =	spop (v2sf)  }
0x1bf: {  	v28 =	vld [tilespmem:s16+$0x20];
	v30 =	vmul.f32 v38, v11;
	v38 =	vsub.f32 v32, v44;
	v41 =	vsub.f32 v33, v44;
	s7 =	ssub.f32 s7, s8  }
0x1c0: {  	[tilespmem:s1+$0xFFFFFF80] =	vst v43;
	v62 =	vmul.f32 v44, v44;
	v31 =	vld [tilespmem:s20+$0x30];
	v43 =	vsub.f32 v35, v44;
	(v2sf) =	vpush v63, $0x0  }
0x1c1: {  	v32 =	vmul.f32 v50, v7;
	v50 =	vadd.f32 v42, v53;
	v42 =	vsub.f32 v36, v44;
	v63 =	vld [tilespmem:s16+$0x30];
	s7 =	sadd.f32 $9.999999960e-13, s7  }
0x1c2: {  	v58 =	vld [tilespmem:s20+$0x40];
	v33 =	vmul.f32 v48, v8;
	v48 =	vadd.f32 v61, v51;
	(v2sf) =	vpush v62, $0x0  }
0x1c3: {  	v45 =	vmul.f32 v46, v10;
	[tilespmem:s1+$0xFFFFFF90] =	vst v60;
	v36 =	vld [tilespmem:s16+$0x40];
	v44 =	vsub.f32 v34, v44;
	v60 =	vadd.f32 $0.0e+00, v50;
	s12 =	sshra.s32 s7, $0x1;
	s15 =	smul.f32 $5.000000000e-01, s7  }
0x1c4: {  	v59 =	vld [tilespmem:s16+$0x50];
	v46 =	vadd.f32 v28, v4;
	v28 =	vmul.f32 v50, v50;
	v62 =	vmul.f32 v48, v48;
	s9 =	ssub.s32 $0x5F3759DF, s12  }
0x1c5: {  	v53 =	vadd.f32 v52, v15;
	v4 =	vld [tilespmem:s20+$0x50];
	v61 =	vadd.f32 v48, v60;
	s8 =	smul.f32 s9, s15  }
0x1c6: {  	v47 =	vmul.f32 v49, v9;
	v28 =	vadd.f32 v62, v28;
	v49 =	vadd.f32 v63, v31;
	v31 =	vld [tilespmem:s20+$0x60]  }
0x1c7: {  	v60 =	vmul.f32 v46, v46;
	v34 =	vadd.f32 v46, v61;
	v63 =	vadd.f32 v54, v14;
	v54 =	vld [tilespmem:s16+$0x60];
	s8 =	smul.f32 s9, s8  }
0x1c8: {  	v32 =	vadd.f32 v32, v15;
	v51 =	vadd.f32 v36, v58;
	v36 =	vld [tilespmem:s20+$0x70]  }
0x1c9: {  	v58 =	vld [tilespmem:s16+$0x70];
	v28 =	vadd.f32 v60, v28;
	[tilespmem:s1+$0xFFFFFFA0] =	vst v63;
	v34 =	vadd.f32 v49, v34;
	v35 =	vmul.f32 v49, v49;
	s8 =	ssub.f32 $1.500000000e+00, s8  }
0x1ca: {  	v52 =	vadd.f32 v59, v4;
	v4 =	vadd.f32 v55, v16;
	v60 =	vld [tilespmem:s16+$0xFFFFFF80];
	[tilespmem:s1+$0xFFFFFFB0] =	vst v53  }
0x1cb: {  	v61 =	vmul.f32 v51, v51;
	v55 =	vld [tilespmem:s20+$0xFFFFFF80];
	v28 =	vadd.f32 v35, v28;
	v34 =	vadd.f32 v51, v34;
	s7 =	smul.f32 s9, s8  }
0x1cc: {  	v59 =	vld [tilespmem:s20+$0xFFFFFF90];
	[tilespmem:s1+$0xFFFFFFC0] =	vst v4;
	v4 =	vadd.f32 v56, v17;
	v53 =	vadd.f32 v54, v31  }
0x1cd: {  	v62 =	vmul.f32 v52, v52;
	v31 =	vld [tilespmem:s16+$0xFFFFFF90];
	v28 =	vadd.f32 v61, v28;
	v34 =	vadd.f32 v52, v34;
	s8 =	smul.f32 s7, s15  }
0x1ce: {  	v36 =	vadd.f32 v58, v36;
	v54 =	vld [tilespmem:s20+$0xFFFFFFA0];
	[tilespmem:s1+$0xFFFFFFD0] =	vst v4;
	v4 =	vadd.f32 v57, v18  }
0x1cf: {  	v56 =	vld [tilespmem:s16+$0xFFFFFFA0];
	v63 =	vmul.f32 v53, v53;
	v35 =	vadd.f32 v62, v28;
	v34 =	vadd.f32 v53, v34;
	s9 =	spop (v2sf);
	s8 =	smul.f32 s8, s7  }
0x1d0: {  	v28 =	vadd.f32 v60, v55;
	v55 =	vld [tilespmem:s20+$0xFFFFFFB0];
	[tilespmem:s1+$0xFFFFFFE0] =	vst v4;
	v4 =	vadd.f32 v30, v19;
	s9 =	smul.f32 $7.812500000e-03, s9  }
0x1d1: {  	v57 =	vmul.f32 v36, v36;
	v35 =	vadd.f32 v63, v35;
	v34 =	vadd.f32 v36, v34;
	s12 =	spop (v2sf);
	s8 =	ssub.f32 $1.500000000e+00, s8  }
0x1d2: {  	v33 =	vadd.f32 v33, v16;
	v58 =	vld [tilespmem:s16+$0xFFFFFFB0];
	v30 =	vadd.f32 v31, v59;
	s9 =	ssub.f32 s9, s12  }
0x1d3: {  	v59 =	vld [tilespmem:s20+$0xFFFFFFC0];
	v60 =	vadd.f32 $0.0e+00, v28;
	[tilespmem:s1+$0xFFFFFFF0] =	vst v4;
	v35 =	vadd.f32 v57, v35;
	v57 =	vperm.xlane v34, v0;
	s7 =	smul.f32 s8, s7  }
0x1d4: {  	v61 =	vmul.f32 v28, v28;
	v4 =	vld [tilespmem:s16+$0xFFFFFFC0];
	v62 =	vmul.f32 v30, v30;
	v31 =	vadd.f32 v56, v54;
	s8 =	sadd.f32 $9.999999960e-13, s9  }
0x1d5: {  	v60 =	vadd.f32 v30, v60;
	v34 =	vadd.f32 v34, v57;
	s9 =	smul.f32 s7, s15  }
0x1d6: {  	v57 =	vperm.xlane v35, v0;
	v61 =	vadd.f32 v62, v61;
	v62 =	vmul.f32 v31, v31;
	s12 =	sshra.s32 s8, $0x1;
	s15 =	smul.f32 $5.000000000e-01, s8  }
0x1d7: {  	[tilespmem:s1+$0x30] =	vst v32;
	v54 =	vld [tilespmem:s20+$0xFFFFFFD0];
	v60 =	vadd.f32 v31, v60;
	v32 =	vadd.f32 v58, v55;
	s8 =	ssub.s32 $0x5F3759DF, s12;
	s9 =	smul.f32 s9, s7  }
0x1d8: {  	v56 =	vld [tilespmem:s16+$0xFFFFFFD0];
	v58 =	vperm.xlane v34, v1;
	v35 =	vadd.f32 v57, v35;
	v57 =	vadd.f32 v62, v61;
	s12 =	smul.f32 s8, s15  }
0x1d9: {  	[tilespmem:s1+$0x40] =	vst v33;
	v20 =	vmov v36;
	v63 =	vld [tilespmem:s20+$0xFFFFFFE0];
	v33 =	vadd.f32 v4, v59;
	v36 =	vadd.f32 v32, v60;
	s9 =	ssub.f32 $1.500000000e+00, s9  }
0x1da: {  	v55 =	vld [tilespmem:s16+$0xFFFFFFE0];
	v60 =	vmul.f32 v32, v32;
	v34 =	vadd.f32 v34, v58;
	v58 =	vperm.xlane v35, v1;
	s12 =	smul.f32 s8, s12  }
0x1db: {  	v4 =	vld [tilespmem:s20+$0xFFFFFFF0];
	v61 =	vmul.f32 v33, v33;
	s7 =	smul.f32 s9, s7  }
0x1dc: {  	v59 =	vld [tilespmem:s16+$0xFFFFFFF0];
	v60 =	vadd.f32 v60, v57;
	v62 =	vperm.xlane v34, v2;
	v58 =	vadd.f32 v58, v35;
	s12 =	ssub.f32 $1.500000000e+00, s12  }
0x1dd: {  	v36 =	vadd.f32 v33, v36;
	v35 =	vadd.f32 v56, v54;
	v29 =	vmul.f32 s7, v29  }
0x1de: {  	s8 =	smul.f32 s8, s12;
	v57 =	vmul.f32 s7, v27;
	v27 =	vadd.f32 v34, v62;
	v34 =	vperm.xlane v58, v2  }
0x1df: {  	v60 =	vadd.f32 v61, v60;
	v54 =	vmul.f32 s7, v26;
	v29 =	vmul.f32 v29, v11  }
0x1e0: {  	s9 =	smul.f32 s8, s15;
	v26 =	vperm.xlane v27, v3;
	v56 =	vadd.f32 v34, v58;
	v58 =	vadd.f32 v35, v36  }
0x1e1: {  	v61 =	vmul.f32 v35, v35;
	v36 =	vadd.f32 v55, v63;
	v34 =	vadd.f32 v59, v4  }
0x1e2: {  	v29 =	vadd.f32 v29, v19;
	s9 =	smul.f32 s9, s8;
	v4 =	vadd.f32 v27, v26;
	v26 =	vperm.xlane v56, v3  }
0x1e3: {  	v27 =	vadd.f32 v61, v60;
	v55 =	vadd.f32 v36, v58;
	v61 =	vmul.f32 v36, v36  }
0x1e4: {  	[tilespmem:s2+$0x70] =	vst v29;
	s9 =	ssub.f32 $1.500000000e+00, s9;
	v29 =	vmul.f32 $7.812500000e-03, v4;
	v4 =	vadd.f32 v26, v56  }
0x1e5: {  	v59 =	vmul.f32 v34, v34;
	v26 =	vadd.f32 v61, v27;
	v55 =	vadd.f32 v34, v55  }
0x1e6: {  	v47 =	vadd.f32 v47, v17;
	s8 =	smul.f32 s9, s8  }
0x1e7: {  	(v2sf) =	vpush v4, $0x0;
	v4 =	vadd.f32 v59, v26;
	v63 =	vperm.xlane v55, v0  }
0x1e8: {  	v56 =	vmul.f32 s7, v25;
	v62 =	vmul.f32 v29, v29;
	v27 =	vsub.f32 v50, v29;
	s9 =	smul.f32 s8, s15  }
0x1e9: {  	v26 =	vsub.f32 v48, v29;
	v55 =	vadd.f32 v55, v63;
	v58 =	vperm.xlane v4, v0  }
0x1ea: {  	v25 =	vsub.f32 v46, v29;
	v50 =	vmul.f32 s7, v23;
	v23 =	vsub.f32 v49, v29;
	s9 =	smul.f32 s9, s8  }
0x1eb: {  	v52 =	vsub.f32 v52, v29;
	v59 =	vperm.xlane v55, v1;
	v4 =	vadd.f32 v58, v4;
	v58 =	vld [tilespmem:$0x1FFF0]  }
0x1ec: {  	v48 =	vmul.f32 s7, v21;
	v21 =	vsub.f32 v51, v29;
	v53 =	vsub.f32 v53, v29;
	s9 =	ssub.f32 $1.500000000e+00, s9  }
0x1ed: {  	v49 =	vmul.f32 s7, v22;
	v46 =	vmul.f32 s7, v24;
	v51 =	vadd.f32 v55, v59  }
0x1ee: {  	v56 =	vmul.f32 v56, v6;
	(v2sf) =	vpush v62, $0x0;
	v60 =	vperm.xlane v4, v1;
	s15 =	smul.f32 s9, s8  }
0x1ef: {  	s17 =	sadd.s32 $0x2, s17;
	v24 =	vmovc v53;
	v53 =	vmul.f32 v54, v5;
	v62 =	vadd.f32 v45, v18;
	v63 =	vperm.xlane v51, v2  }
0x1f0: {  	p1 =	slt.u32 s17, $0x7E;
	v4 =	vadd.f32 v60, v4;
	v61 =	vmul.f32 v57, v58;
	v60 =	vmul.f32 s15, v37  }
.Ltmp1:
0x1f1: {  	v45 =	vmul.f32 s15, v39;
	v40 =	vmul.f32 s15, v40;
	v54 =	vadd.f32 v51, v63;
	(pc) =	sbr.rel @p1 .LBB2_5-.Ltmp1, $4  }
0x1f2: {  	v22 =	vmovc v52;
	[tilespmem:s1+$0x60] =	vst v62;
	v62 =	vperm.xlane v4, v2;
	v52 =	vmul.f32 s15, v38;
	v63 =	vadd.f32 v53, v13  }
0x1f3: {  	[tilespmem:s1+$0x50] =	vst v47;
	s1 =	smov.u32 s2;
	v41 =	vmul.f32 s15, v41;
	v37 =	vmul.f32 s15, v43;
	v61 =	vadd.f32 v61, v12  }
0x1f4: {  	v39 =	vmul.f32 s15, v42;
	v38 =	vmul.f32 s15, v44;
	v42 =	vadd.f32 v56, v14;
	[tilespmem:s1+$0x10] =	vst v63  }
0x1f5: {  	s2 =	smov.u32 s20;
	s20 =	sadd.s32 $0x100, s20;
	v53 =	vperm.xlane v54, v3;
	v47 =	vadd.f32 v62, v4;
	v43 =	vmul.f32 v60, v58;
	[tilespmem:s1+$0x0] =	vst v61  }
0x1f6: {  	_ = 	snop  }
0x1f7: {  	v4 =	vadd.f32 v54, v53;
	v44 =	vperm.xlane v47, v3;
	_ =	sdelay $0x1  }
0x1f8: {  	v4 =	vmul.f32 $7.812500000e-03, v4;
	v44 =	vadd.f32 v44, v47;
	_ =	sdelay $0x1  }
0x1f9: {  	v57 =	vmul.f32 v4, v4;
	(v2sf) =	vpush v44, $0x0;
	_ =	sdelay $0x1  }
0x1fa: {  	(v2sf) =	vpush v57, $0x0;
	_ =	sdelay $0x5  }
0x1fb: {  	s7 =	spop (v2sf)  }
0x1fc: {  	s7 =	smul.f32 $7.812500000e-03, s7  }
0x1fd: {  	s8 =	spop (v2sf)  }
0x1fe: {  	s7 =	ssub.f32 s7, s8;
	_ =	sdelay $0x1  }
0x1ff: {  	s7 =	sadd.f32 $9.999999960e-13, s7;
	_ =	sdelay $0x1  }
0x200: {  	s16 =	sshra.s32 s7, $0x1;
	s7 =	smul.f32 $5.000000000e-01, s7;
	s9 =	spop (v2sf)  }
0x201: {  	s8 =	ssub.s32 $0x5F3759DF, s16;
	s9 =	smul.f32 $7.812500000e-03, s9  }
0x202: {  	s12 =	smul.f32 s8, s7;
	s15 =	spop (v2sf)  }
0x203: {  	s9 =	ssub.f32 s9, s15  }
0x204: {  	s12 =	smul.f32 s8, s12  }
0x205: {  	s9 =	sadd.f32 $9.999999960e-13, s9  }
0x206: {  	s12 =	ssub.f32 $1.500000000e+00, s12  }
0x207: {  	s17 =	sshra.s32 s9, $0x1;
	s9 =	smul.f32 $5.000000000e-01, s9  }
0x208: {  	s8 =	smul.f32 s8, s12;
	s20 =	ssub.s32 $0x5F3759DF, s17  }
0x209: {  	s15 =	smul.f32 s20, s9  }
0x20a: {  	s16 =	smul.f32 s8, s7  }
0x20b: {  	s15 =	smul.f32 s20, s15  }
0x20c: {  	s16 =	smul.f32 s16, s8  }
0x20d: {  	s15 =	ssub.f32 $1.500000000e+00, s15  }
0x20e: {  	v40 =	vmul.f32 v40, v6;
	s16 =	ssub.f32 $1.500000000e+00, s16  }
0x20f: {  	v59 =	vmul.f32 v52, v7;
	v43 =	vadd.f32 v43, v12;
	s12 =	smul.f32 s20, s15  }
0x210: {  	[tilespmem:s1+$0x20] =	vst v42;
	v41 =	vmul.f32 v41, v8;
	v40 =	vadd.f32 v40, v14;
	s8 =	smul.f32 s16, s8  }
0x211: {  	v37 =	vmul.f32 v37, v9;
	v60 =	vadd.f32 v59, v15;
	[tilespmem:s1+$0xFFFFFF80] =	vst v43;
	s15 =	smul.f32 s12, s9  }
0x212: {  	v39 =	vmul.f32 v39, v10;
	v61 =	vadd.f32 v41, v16;
	[tilespmem:s1+$0xFFFFFFA0] =	vst v40;
	s7 =	smul.f32 s8, s7  }
0x213: {  	v62 =	vmul.f32 v50, v7;
	v37 =	vadd.f32 v37, v17;
	[tilespmem:s1+$0xFFFFFFB0] =	vst v60;
	s15 =	smul.f32 s15, s12  }
0x214: {  	v63 =	vmul.f32 v48, v8;
	v39 =	vadd.f32 v39, v18;
	[tilespmem:s1+$0xFFFFFFC0] =	vst v61;
	s7 =	smul.f32 s7, s8  }
0x215: {  	v38 =	vmul.f32 v38, v11;
	v20 =	vsub.f32 v20, v29;
	v29 =	vadd.f32 v62, v15;
	[tilespmem:s1+$0xFFFFFFD0] =	vst v37;
	s15 =	ssub.f32 $1.500000000e+00, s15  }
0x216: {  	v58 =	vmul.f32 v45, v5;
	v45 =	vmul.f32 v46, v10;
	v46 =	vadd.f32 v63, v16;
	[tilespmem:s1+$0xFFFFFFE0] =	vst v39;
	s7 =	ssub.f32 $1.500000000e+00, s7  }
0x217: {  	v43 =	vadd.f32 v38, v19;
	[tilespmem:s1+$0x30] =	vst v29;
	s12 =	smul.f32 s15, s12  }
0x218: {  	[tilespmem:s1+$0x40] =	vst v46;
	v44 =	vadd.f32 v58, v13;
	s7 =	smul.f32 s7, s8  }
0x219: {  	[tilespmem:s1+$0xFFFFFFF0] =	vst v43;
	s17 =	smul.f32 s12, s9  }
0x21a: {  	[tilespmem:s1+$0xFFFFFF90] =	vst v44  }
0x21b: {  	v28 =	vsub.f32 v28, v4;
	v30 =	vsub.f32 v30, v4;
	v48 =	vld [tilespmem:$0x1FFF0];
	v20 =	vmul.f32 s7, v20;
	s8 =	smul.f32 s17, s12  }
0x21c: {  	v31 =	vsub.f32 v31, v4;
	v32 =	vsub.f32 v32, v4  }
0x21d: {  	v33 =	vsub.f32 v33, v4;
	v35 =	vsub.f32 v35, v4;
	v20 =	vmul.f32 v20, v11;
	s8 =	ssub.f32 $1.500000000e+00, s8  }
0x21e: {  	v36 =	vsub.f32 v36, v4;
	v4 =	vsub.f32 v34, v4;
	v27 =	vmul.f32 s7, v27  }
0x21f: {  	v44 =	vmul.f32 v49, v9;
	v26 =	vmul.f32 s7, v26;
	v20 =	vadd.f32 v20, v19;
	s8 =	smul.f32 s8, s12  }
0x220: {  	v49 =	vadd.f32 v45, v18;
	v25 =	vmul.f32 s7, v25;
	v27 =	vmul.f32 v27, v48  }
0x221: {  	v47 =	vadd.f32 v44, v17;
	[tilespmem:s2+$0x70] =	vst v20;
	v20 =	vmul.f32 v26, v5;
	v28 =	vmul.f32 s8, v28  }
0x222: {  	[tilespmem:s1+$0x60] =	vst v49;
	v25 =	vmul.f32 v25, v6;
	v27 =	vadd.f32 v27, v12;
	v50 =	vmul.f32 s8, v30  }
0x223: {  	[tilespmem:s1+$0x50] =	vst v47;
	v20 =	vadd.f32 v20, v13;
	v53 =	vmul.f32 s8, v32;
	v52 =	vmul.f32 v28, v48  }
0x224: {  	v25 =	vadd.f32 v25, v14;
	[tilespmem:s2+$0x0] =	vst v27;
	v51 =	vmul.f32 s8, v31;
	v54 =	vmul.f32 v50, v5  }
0x225: {  	[tilespmem:s2+$0x10] =	vst v20;
	v57 =	vmul.f32 s8, v35;
	v28 =	vmul.f32 v53, v7;
	v20 =	vadd.f32 v52, v12  }
0x226: {  	[tilespmem:s2+$0x20] =	vst v25;
	v55 =	vmul.f32 s8, v33;
	v56 =	vmul.f32 v51, v6;
	v58 =	vadd.f32 v54, v13  }
0x227: {  	v4 =	vmul.f32 s8, v4;
	v60 =	vmul.f32 v57, v9;
	v61 =	vadd.f32 v28, v15;
	[tilespmem:s2+$0xFFFFFF80] =	vst v20  }
0x228: {  	v59 =	vmul.f32 s8, v36;
	v29 =	vmul.f32 v55, v8;
	v20 =	vadd.f32 v56, v14;
	[tilespmem:s2+$0xFFFFFF90] =	vst v58  }
0x229: {  	v21 =	vmul.f32 s7, v21;
	v4 =	vmul.f32 v4, v11;
	v62 =	vadd.f32 v60, v17;
	[tilespmem:s2+$0xFFFFFFB0] =	vst v61  }
0x22a: {  	v23 =	vmul.f32 s7, v23;
	v27 =	vmul.f32 v59, v10;
	[tilespmem:s2+$0xFFFFFFA0] =	vst v20;
	v20 =	vadd.f32 v29, v16  }
0x22b: {  	v24 =	vmul.f32 s7, v24;
	v21 =	vmul.f32 v21, v8;
	v4 =	vadd.f32 v4, v19;
	[tilespmem:s2+$0xFFFFFFD0] =	vst v62  }
0x22c: {  	v22 =	vmul.f32 s7, v22;
	v23 =	vmul.f32 v23, v7;
	[tilespmem:s2+$0xFFFFFFC0] =	vst v20;
	v20 =	vadd.f32 v27, v18  }
0x22d: {  	s31 =	sadd.s32 $0x1, s31;
	v63 =	vmul.f32 v24, v10;
	[tilespmem:s2+$0xFFFFFFF0] =	vst v4;
	v4 =	vadd.f32 v21, v16  }
0x22e: {  	p1 =	sne.s32 s31, $0x19;
	v22 =	vmul.f32 v22, v9;
	[tilespmem:s2+$0xFFFFFFE0] =	vst v20;
	v20 =	vadd.f32 v23, v15  }
.Ltmp2:
0x22f: {  	[tilespmem:s2+$0x40] =	vst v4;
	v4 =	vadd.f32 v63, v18;
	(pc) =	sbr.rel @p1 .LBB2_2-.Ltmp2, $4  }
0x230: {  	s20 =	sadd.s32 s4, s11;
	[tilespmem:s2+$0x30] =	vst v20;
	v20 =	vadd.f32 v22, v17  }
0x231: {  	s1 =	sshll.u32 s20, $0x4;
	[tilespmem:s2+$0x60] =	vst v4  }
0x232: {  	s1 =	sadd.s32 s3, s1;
	[tilespmem:s2+$0x50] =	vst v20  }
0x233: {  	[hbm4b:s1+s6] =	stream.linear.scatter [tilespmem:s26], [sflag:$0x6], $0x4000, $0x38;
	[tilespmem:$0x13F80] =	vst v63  }
0x234: {  	_ =	swait.ge [sflag:s28], $0x4000  }
0x235: {  	[sflag:s28] =	ssyncset.done $0x0  }
0x236: {  	[sflag:s28] =	ssyncadd.s32 $0xFFFFC000  }
0x237: {  	_ =	swait.ge [sflag:s29], $0x4000  }
0x238: {  	s30 =	sadd.s32 $0x1, s30;
	s1 =	rddreg [dreg:$0xa]  }
0x239: {  	p1 =	sne.s32 s30, s1  }
.Ltmp3:
0x23a: {  	_ = 	snop;
	(pc) =	sbr.rel @p1 .LBB2_1-.Ltmp3, $3  }
0x23b: {  	_ =	sdelay $0x1  }
0x23c: {  	[sflag:s29] =	ssyncset.done $0x0  }
0x23d: {  	[sflag:s29] =	ssyncadd.s32 $0xFFFFC000  }
0x23e: {  	_ =	sfence.sel $0x180000  }
0x23f: {  	[bflag:$0x0] =	sbarrier.arrive $0xFFFF  }
0x240: {  	_ =	strace $0x90000047  }
0x241: {  	[bflag:$0x2] =	sbarrier.arrive $0xFFFF  }
0x242: {  	s0 =	rddreg [dreg:$0x6]  }
0x243: {  	s0 =	sadd.s32 @!p0 $0x100000, s0  }
0x244: {  	[sflag:s0] =	ssyncadd.tile.s32 @!p0 $0x1;
	_ =	shalt  }
.Lfunc_end2:
_tile_overlayer_lowered:
.L_overlay_start_2:
0x245: {  	(tag) =	ssettag $0x2  }
0x246: {  	s0 =	rddreg [dreg:$0x0];
	s2 =	stileid.u32  }
0x247: {  	s1 =	rddreg [dreg:$0x1];
	p0 =	sne.s32 s2, $0x0  }
0x248: {  	s3 =	rddreg [dreg:$0x2];
	[bflag:$0x3] =	sbarrier.arrive $0xFFFF;
	s2 =	simm.s32 @!p0 $0x1C07  }
0x249: {  	[timem:s3], [sflag:s2] =	dma.local @!p0 [hbm:s0], s1  }
0x24a: {  	s0 =	simm.s32 @!p0 $0x7  }
0x24b: {  	_ =	swait.ge @!p0 [sflag:s0], s1  }
0x24c: {  	s1 =	ssub.s32 @!p0 $0x0, s1;
	[sflag:s0] =	ssyncset.done @!p0 $0x0  }
0x24d: {  	[sflag:s0] =	ssyncadd.s32 @!p0 s1  }
0x24e: {  	[bflag:$0x3] =	sbarrier.arrive $0xFFFF  }
0x24f: {  	_ =	shalt  }

</sc_bundles>
